<compile_context>
chip_gen: v7x
topology: tpu7x:2x2x1
jax: 0.10.2.dev20260603
libtpu: 0.0.44.dev20260713+nightly
codegen_flags: <defaults>
</compile_context>

<pallas_src>
import functools

import jax
import jax.numpy as jnp
from jax import lax
from jax.experimental import pallas as pl
from jax.experimental.pallas import tpu as pltpu
from jax.experimental.pallas import tpu_sc as plsc

L = 16
NT = 32


def _wid():
    return lax.axis_index("c") * 16 + lax.axis_index("s")


def _iota():
    return lax.iota(jnp.int32, L)


def _hash_u32(x):
    x = x.astype(jnp.uint32)
    x = x ^ (x >> 16)
    x = x * jnp.uint32(0x7FEB352D)
    x = x ^ (x >> 15)
    x = x * jnp.uint32(0x846CA68B)
    x = x ^ (x >> 16)
    return x


def _make_cdf_kernel(VP, CHUNK):
    CPT = CHUNK // L
    mesh = plsc.VectorSubcoreMesh(core_axis_name="c", subcore_axis_name="s")

    @functools.partial(
        pl.kernel,
        mesh=mesh,
        compiler_params=pltpu.CompilerParams(needs_layout_passes=False, use_tc_tiling_on_sc=False),
        out_type=[
            jax.ShapeDtypeStruct((VP,), jnp.float32),
            jax.ShapeDtypeStruct((VP // L,), jnp.float32),
            jax.ShapeDtypeStruct((NT * L,), jnp.float32),
        ],
        scratch_types=[
            pltpu.VMEM((CHUNK,), jnp.float32),
            pltpu.VMEM((CPT,), jnp.float32),
            pltpu.VMEM((L,), jnp.float32),
        ],
    )
    def cdf_kernel(unig_hbm, cdf_hbm, coarse_hbm, totals_hbm, fbuf, cbuf, tbuf):
        w = _wid()
        pltpu.sync_copy(unig_hbm.at[pl.ds(w * CHUNK, CHUNK)], fbuf)

        def step(j, carry):
            v = fbuf[pl.ds(j * L, L)]
            fbuf[pl.ds(j * L, L)] = jnp.cumsum(v) + carry
            return carry + jnp.sum(v)

        total = lax.fori_loop(0, CPT, step, jnp.float32(0.0))
        tbuf[...] = jnp.full((L,), total, jnp.float32)

        def cstep(g, _):
            idx = g * (L * L) + _iota() * L + (L - 1)
            cbuf[pl.ds(g * L, L)] = plsc.load_gather(fbuf, [idx])
            return 0

        lax.fori_loop(0, CPT // L, cstep, 0)

        pltpu.sync_copy(fbuf, cdf_hbm.at[pl.ds(w * CHUNK, CHUNK)])
        pltpu.sync_copy(cbuf, coarse_hbm.at[pl.ds(w * CPT, CPT)])
        pltpu.sync_copy(tbuf, totals_hbm.at[pl.ds(w * L, L)])

    return cdf_kernel


def _make_sample_kernel(V, VP, B, K, COARSE, SEG):
    N = B * K
    SPT = N // NT
    C = 2560
    NCH = SPT // C
    RPC = C // K
    ROWS_PT = SPT // K
    LEVELS = COARSE.bit_length() - 1
    assert 1 << LEVELS == COARSE
    SEG_SH = SEG.bit_length() - 1
    SEG_L_SH = (SEG // L).bit_length() - 1
    assert 1 << SEG_SH == SEG and 1 << SEG_L_SH == SEG // L
    mesh = plsc.VectorSubcoreMesh(core_axis_name="c", subcore_axis_name="s")

    @functools.partial(
        pl.kernel,
        mesh=mesh,
        compiler_params=pltpu.CompilerParams(needs_layout_passes=False, use_tc_tiling_on_sc=False),
        out_type=jax.ShapeDtypeStruct((B,), jnp.float32),
        scratch_types=[
            pltpu.VMEM((COARSE,), jnp.float32),
            pltpu.VMEM((NT * L,), jnp.float32),
            pltpu.VMEM((NT,), jnp.float32),
            pltpu.VMEM((C,), jnp.float32),
            pltpu.VMEM((C,), jnp.int32),
            pltpu.VMEM((C, L), jnp.float32),
            pltpu.VMEM((C,), jnp.float32),
            pltpu.VMEM((ROWS_PT,), jnp.float32),
            pltpu.SemaphoreType.DMA,
        ],
    )
    def sample_kernel(cdfr_hbm, coarse_hbm, totals_hbm, t_hbm, neg_hbm,
                      coarse_v, tot_v, pref_v, ubuf, jbuf, rows_v, tch, outv, sem):
        w = _wid()
        pltpu.sync_copy(coarse_hbm, coarse_v)
        pltpu.sync_copy(totals_hbm, tot_v)

        lanes = _iota()
        t0 = plsc.load_gather(tot_v, [lanes * L])
        t1 = plsc.load_gather(tot_v, [(lanes + L) * L])
        s0 = jnp.sum(t0)
        e0 = jnp.cumsum(t0) - t0
        e1 = jnp.cumsum(t1) - t1 + s0
        pref_v[pl.ds(0, L)] = e0
        pref_v[pl.ds(L, L)] = e1
        S = s0 + jnp.sum(t1)
        scale = S * jnp.float32(1.0 / N)

        def gstep(g, _):
            off = plsc.load_gather(pref_v, [jnp.full((L,), 0, jnp.int32) + (g >> SEG_L_SH)])
            coarse_v[pl.ds(g * L, L)] = coarse_v[pl.ds(g * L, L)] + off
            return 0

        lax.fori_loop(0, COARSE // L, gstep, 0)

        base_n = w * SPT

        def chunk_body(q, _):
            def srch(m, _):
                n_vec = base_n + q * C + m * L + lanes
                r = _hash_u32(n_vec).astype(jnp.float32) * jnp.float32(2.0 ** -32)
                u = (n_vec.astype(jnp.float32) + r) * scale
                pos = jnp.zeros((L,), jnp.int32)
                for lev in range(LEVELS - 1, -1, -1):
                    stp = jnp.int32(1 << lev)
                    c = plsc.load_gather(coarse_v, [pos + (stp - 1)])
                    pos = pos + jnp.where(c < u, stp, 0)
                ubuf[pl.ds(m * L, L)] = u
                jbuf[pl.ds(m * L, L)] = pos
                return 0

            lax.fori_loop(0, C // L, srch, 0)

            pltpu.async_copy(cdfr_hbm.at[jbuf], rows_v, sem).wait()

            def refine(m, _):
                u = ubuf[pl.ds(m * L, L)]
                j = jbuf[pl.ds(m * L, L)]
                pre = plsc.load_gather(pref_v, [j >> SEG_SH])
                ul = u - pre
                s_idx = m * L + lanes
                cnt = jnp.zeros((L,), jnp.int32)
                for sh in (3, 2, 1, 0):
                    stp = jnp.int32(1 << sh)
                    valk = plsc.load_gather(rows_v, [s_idx, cnt + (stp - 1)])
                    cnt = cnt + jnp.where(valk < ul, stp, 0)
                v_idx = jnp.minimum(j * L + cnt, jnp.int32(V - 1))
                jbuf[pl.ds(m * L, L)] = v_idx
                return 0

            lax.fori_loop(0, C // L, refine, 0)

            pltpu.async_copy(t_hbm.at[jbuf], tch, sem).wait()

            def rrow(g, _):
                rowb = g * L + lanes

                def acc_step(k, a):
                    return a + plsc.load_gather(tch, [rowb * K + k])

                acc = lax.fori_loop(0, K, acc_step, jnp.zeros((L,), jnp.float32))
                outv[pl.ds(q * RPC + g * L, L)] = acc * jnp.float32(1.0 / K)
                return 0

            lax.fori_loop(0, RPC // L, rrow, 0)
            return 0

        lax.fori_loop(0, NCH, chunk_body, 0)
        pltpu.sync_copy(outv, neg_hbm.at[pl.ds(w * ROWS_PT, ROWS_PT)])

    return sample_kernel


def _matvec_body(embt_ref, w_ref, out_ref):
    out_ref[...] = jnp.sum(embt_ref[...] * w_ref[...], axis=0)


def _loss_body(pos_ref, neg_ref, b_ref, out_ref):
    x = pos_ref[...]
    y = neg_ref[...] + b_ref[0, 0]
    sp = jnp.clip(x, 0, None) - x + jnp.log1p(jnp.exp(-jnp.abs(x)))
    sn = jnp.clip(y, 0, None) + jnp.log1p(jnp.exp(-jnp.abs(y)))
    n_tot = 2.0 * x.size
    out_ref[...] = ((jnp.sum(sp) + jnp.sum(sn)) / jnp.float32(n_tot)).reshape(1, 1)


def kernel(positive_outputs, unigram_dist, emb_table, W, b):
    V = unigram_dist.shape[0]
    B = positive_outputs.shape[0]
    K = 20
    VP = 1 << max(20, (V - 1).bit_length())
    CHUNK = VP // NT
    COARSE = VP // L
    SEG = COARSE // NT

    unig_p = jnp.concatenate(
        [unigram_dist, jnp.zeros((VP - V,), jnp.float32)]) if VP != V else unigram_dist

    cdf_flat, coarse, totals = _make_cdf_kernel(VP, CHUNK)(unig_p)
    cdf_rows = cdf_flat.reshape(COARSE, L)

    TBLK = 16384
    t_flat = pl.pallas_call(
        _matvec_body,
        out_shape=jax.ShapeDtypeStruct((V,), jnp.float32),
        grid=(pl.cdiv(V, TBLK),),
        in_specs=[
            pl.BlockSpec((L, TBLK), lambda i: (0, i)),
            pl.BlockSpec((L, 1), lambda i: (0, 0)),
        ],
        out_specs=pl.BlockSpec((TBLK,), lambda i: (i,)),
    )(emb_table.T, W)

    neg = _make_sample_kernel(V, VP, B, K, COARSE, SEG)(
        cdf_rows, coarse, totals, t_flat)

    R = 128
    loss2d = pl.pallas_call(
        _loss_body,
        out_shape=jax.ShapeDtypeStruct((1, 1), jnp.float32),
        in_specs=[
            pl.BlockSpec((R, B // R), lambda: (0, 0)),
            pl.BlockSpec((R, B // R), lambda: (0, 0)),
            pl.BlockSpec((1, 1), lambda: (0, 0)),
        ],
        out_specs=pl.BlockSpec((1, 1), lambda: (0, 0)),
    )(positive_outputs.reshape(R, B // R), neg.reshape(R, B // R), b.reshape(1, 1))
    return loss2d.reshape(())

# --- scband reference (transcript-rebuilt; emitter-appended) ---
"""Pipeline reference for scband-negative-sampling-loss-77953656422572 (READ-ONLY COPY).

The authoritative reference and input builder live on the scoring server;
editing this copy changes nothing except your own understanding.
"""

import jax, jax.numpy as jnp
import numpy as np

VOCAB = 1000000
EMBED = 16
BATCH = 16384
N_NEG = 20


def setup_inputs(seed: int = 0) -> dict:
    key = jax.random.key(seed)
    k1, k2, k3, k4 = jax.random.split(key, 4)
    positive_outputs = jax.random.normal(k1, (BATCH, 1), dtype=jnp.float32)
    unigram_dist = jax.random.uniform(k2, (VOCAB,), dtype=jnp.float32, minval=1e-6, maxval=1.0)
    emb_table = jax.random.normal(k3, (VOCAB, EMBED), dtype=jnp.float32) * 0.01
    W = jax.random.normal(k4, (EMBED, 1), dtype=jnp.float32) * 0.1
    b = jnp.zeros((1,), dtype=jnp.float32)
    return {"positive_outputs": positive_outputs, "unigram_dist": unigram_dist,
            "emb_table": emb_table, "W": W, "b": b}


def _bce_with_logits(logits, targets):
    # numerically stable, reduction='mean'
    return jnp.mean(jnp.clip(logits, 0, None) - logits * targets + jnp.log1p(jnp.exp(-jnp.abs(logits))))


def reference(positive_outputs, unigram_dist, emb_table, W, b):
    # torch.multinomial(unigram_dist, N_NEG*BATCH, replacement=True)
    sample_key = jax.random.key(42)
    log_probs = jnp.log(unigram_dist)
    negative_samples = jax.random.categorical(sample_key, log_probs, shape=(BATCH * N_NEG,)).reshape(BATCH, N_NEG)
    # cbow: mean of context embeddings -> linear -> [BATCH, 1]
    neg_emb = jnp.take(emb_table, negative_samples, axis=0)      # [B, K, E]
    neg_hidden = jnp.mean(neg_emb, axis=1)                        # [B, E]
    negative_outputs = neg_hidden @ W + b                         # [B, 1]
    outputs = jnp.concatenate([positive_outputs, negative_outputs], axis=0)
    positive_targets = jnp.ones((positive_outputs.shape[0],), dtype=jnp.float32)
    negative_targets = jnp.zeros((negative_samples.shape[0],), dtype=jnp.float32)
    targets = jnp.concatenate([positive_targets, negative_targets])[:, None]
    loss = _bce_with_logits(outputs, targets)
    return loss

if __name__ == "__main__":
    import jax
    _d = setup_inputs()
    print(jax.jit(kernel)(*tuple(_d.values())))

</pallas_src>

<mosaic_0001>
#map = affine_map<(d0, d1) -> (0, 0)>
#map1 = affine_map<(d0, d1) -> (0)>
module attributes {stable_mosaic.version = 14 : i64} {
  func.func @sample_kernel(%arg0: i32, %arg1: i32, %arg2: memref<65536x16xf32, #tpu.memory_space<hbm>>, %arg3: memref<65536xf32, #tpu.memory_space<hbm>>, %arg4: memref<512xf32, #tpu.memory_space<hbm>>, %arg5: memref<1000000xf32, #tpu.memory_space<hbm>>, %arg6: memref<16384xf32, #tpu.memory_space<hbm>>, %arg7: memref<65536xf32, #tpu.memory_space<vmem>>, %arg8: memref<512xf32, #tpu.memory_space<vmem>>, %arg9: memref<32xf32, #tpu.memory_space<vmem>>, %arg10: memref<2560xf32, #tpu.memory_space<vmem>>, %arg11: memref<2560xi32, #tpu.memory_space<vmem>>, %arg12: memref<2560x16xf32, #tpu.memory_space<vmem>>, %arg13: memref<2560xf32, #tpu.memory_space<vmem>>, %arg14: memref<512xf32, #tpu.memory_space<vmem>>, %arg15: memref<!tpu.dma_semaphore, #tpu.memory_space<semaphore_mem>>) attributes {dimension_semantics = [#tpu.dimension_semantics<core_parallel>, #tpu.dimension_semantics<subcore_parallel>], iteration_bounds = array<i64: 2, 16>, scalar_prefetch = 0 : i64, scratch_operands = 9 : i64, tpu.core_type = #tpu.core_type<sc_vector_subcore>, window_params = [{transform_indices = #map}, {transform_indices = #map1}, {transform_indices = #map1}, {transform_indices = #map1}, {transform_indices = #map1}]} {
    %mul3A = arith.constant 16 : i32
    %mul3A_0 = arith.muli %arg0, %mul3A : i32
    %add3A = arith.addi %mul3A_0, %arg1 : i32
    "tpu.region"() ({
      %run_scoped3A = tpu.sem_alloc : memref<!tpu.dma_semaphore, #tpu.memory_space<semaphore_mem>>
      tpu.enqueue_dma source(%arg3 : memref<65536xf32, #tpu.memory_space<hbm>>) target(%arg7 : memref<65536xf32, #tpu.memory_space<vmem>>) target_semaphore(%run_scoped3A : memref<!tpu.dma_semaphore, #tpu.memory_space<semaphore_mem>>)
      tpu.wait_dma2 semaphore(%run_scoped3A : memref<!tpu.dma_semaphore, #tpu.memory_space<semaphore_mem>>) src(%arg3 : memref<65536xf32, #tpu.memory_space<hbm>>) dst(%arg7 : memref<65536xf32, #tpu.memory_space<vmem>>)
      tpu.yield
    }) : () -> ()
    "tpu.region"() ({
      %run_scoped3A = tpu.sem_alloc : memref<!tpu.dma_semaphore, #tpu.memory_space<semaphore_mem>>
      tpu.enqueue_dma source(%arg4 : memref<512xf32, #tpu.memory_space<hbm>>) target(%arg8 : memref<512xf32, #tpu.memory_space<vmem>>) target_semaphore(%run_scoped3A : memref<!tpu.dma_semaphore, #tpu.memory_space<semaphore_mem>>)
      tpu.wait_dma2 semaphore(%run_scoped3A : memref<!tpu.dma_semaphore, #tpu.memory_space<semaphore_mem>>) src(%arg4 : memref<512xf32, #tpu.memory_space<hbm>>) dst(%arg8 : memref<512xf32, #tpu.memory_space<vmem>>)
      tpu.yield
    }) : () -> ()
    %iota3A = tpu.iota {dimensions = array<i32: 0>} : vector<16xi32>
    %mul3A_1 = arith.constant 16 : i32
    %mul3A_2 = vector.broadcast %mul3A_1 : i32 to vector<16xi32>
    %mul3A_3 = arith.muli %iota3A, %mul3A_2 : vector<16xi32>
    %gather3A = tpu.vector_load_idx %arg8[%mul3A_3] : memref<512xf32, #tpu.memory_space<vmem>>[vector<16xi32>], vector<16xf32>,
    %add3A_4 = arith.constant 16 : i32
    %add3A_5 = vector.broadcast %add3A_4 : i32 to vector<16xi32>
    %add3A_6 = arith.addi %iota3A, %add3A_5 : vector<16xi32>
    %mul3A_7 = arith.constant 16 : i32
    %mul3A_8 = vector.broadcast %mul3A_7 : i32 to vector<16xi32>
    %mul3A_9 = arith.muli %add3A_6, %mul3A_8 : vector<16xi32>
    %gather3A_10 = tpu.vector_load_idx %arg8[%mul3A_9] : memref<512xf32, #tpu.memory_space<vmem>>[vector<16xi32>], vector<16xf32>,
    %reduce_sum3A = arith.constant true
    %reduce_sum3A_11 = vector.broadcast %reduce_sum3A : i1 to vector<16xi1>
    %reduce_sum3A_12 = tpu.scan <sum>, %gather3A masked %reduce_sum3A_11 : vector<16xf32>, vector<16xi1> -> vector<16xf32>
    %reduce_sum3A_13 = vector.extract %reduce_sum3A_12[15] : f32 from vector<16xf32>
    %cumsum3A = arith.constant true
    %cumsum3A_14 = vector.broadcast %cumsum3A : i1 to vector<16xi1>
    %cumsum3A_15 = tpu.scan <sum>, %gather3A masked %cumsum3A_14 : vector<16xf32>, vector<16xi1> -> vector<16xf32>
    %sub3A = arith.subf %cumsum3A_15, %gather3A : vector<16xf32>
    %cumsum3A_16 = arith.constant true
    %cumsum3A_17 = vector.broadcast %cumsum3A_16 : i1 to vector<16xi1>
    %cumsum3A_18 = tpu.scan <sum>, %gather3A_10 masked %cumsum3A_17 : vector<16xf32>, vector<16xi1> -> vector<16xf32>
    %sub3A_19 = arith.subf %cumsum3A_18, %gather3A_10 : vector<16xf32>
    %add3A_20 = vector.broadcast %reduce_sum3A_13 : f32 to vector<16xf32>
    %add3A_21 = arith.addf %sub3A_19, %add3A_20 : vector<16xf32>
    %swap3A = arith.constant 0 : index
    %swap3A_22 = tpu.vector_load %arg9[%swap3A] {strides = array<i32>} : memref<32xf32, #tpu.memory_space<vmem>>, vector<16xf32>,
    tpu.vector_store %arg9[%swap3A], %sub3A {strides = array<i32>} : memref<32xf32, #tpu.memory_space<vmem>>, vector<16xf32>,
    %swap3A_23 = arith.constant 16 : index
    %swap3A_24 = tpu.vector_load %arg9[%swap3A_23] {strides = array<i32>} : memref<32xf32, #tpu.memory_space<vmem>>, vector<16xf32>,
    tpu.vector_store %arg9[%swap3A_23], %add3A_21 {strides = array<i32>} : memref<32xf32, #tpu.memory_space<vmem>>, vector<16xf32>,
    %reduce_sum3A_25 = arith.constant true
    %reduce_sum3A_26 = vector.broadcast %reduce_sum3A_25 : i1 to vector<16xi1>
    %reduce_sum3A_27 = tpu.scan <sum>, %gather3A_10 masked %reduce_sum3A_26 : vector<16xf32>, vector<16xi1> -> vector<16xf32>
    %reduce_sum3A_28 = vector.extract %reduce_sum3A_27[15] : f32 from vector<16xf32>
    %add3A_29 = arith.addf %reduce_sum3A_13, %reduce_sum3A_28 : f32
    %mul3A_30 = arith.constant 3.05175786E-6 : f32
    %mul3A_31 = arith.mulf %add3A_29, %mul3A_30 : f32
    %scan3A = arith.constant 0 : i32
    %scan3A_32 = arith.constant 0 : i32
    %scan3A_33 = arith.constant 4096 : i32
    %scan3A_34 = arith.addi %scan3A_32, %scan3A_33 : i32
    %scan3A_35 = arith.constant 1 : i32
    %scan3A_36 = scf.for %scan3A_49 = %scan3A_32 to %scan3A_34 step %scan3A_35 iter_args(%scan3A_50 = %scan3A) -> (i32)  : i32 {
      %broadcast_in_dim3A = arith.constant 0 : i32
      %broadcast_in_dim3A_51 = vector.broadcast %broadcast_in_dim3A : i32 to vector<16xi32>
      %shift_right_arithmetic3A = arith.constant 7 : i32
      %shift_right_arithmetic3A_52 = arith.shrsi %scan3A_49, %shift_right_arithmetic3A : i32
      %add3A_53 = vector.broadcast %shift_right_arithmetic3A_52 : i32 to vector<16xi32>
      %add3A_54 = arith.addi %broadcast_in_dim3A_51, %add3A_53 : vector<16xi32>
      %gather3A_55 = tpu.vector_load_idx %arg9[%add3A_54] : memref<32xf32, #tpu.memory_space<vmem>>[vector<16xi32>], vector<16xf32>,
      %mul3A_56 = arith.constant 16 : i32
      %mul3A_57 = arith.muli %scan3A_49, %mul3A_56 : i32
      %get3A = arith.index_cast %mul3A_57 : i32 to index
      %get3A_58 = tpu.vector_load %arg7[%get3A] {strides = array<i32>} : memref<65536xf32, #tpu.memory_space<vmem>>, vector<16xf32>,
      %add3A_59 = arith.addf %get3A_58, %gather3A_55 : vector<16xf32>
      %mul3A_60 = arith.constant 16 : i32
      %mul3A_61 = arith.muli %scan3A_49, %mul3A_60 : i32
      %swap3A_62 = arith.index_cast %mul3A_61 : i32 to index
      %swap3A_63 = tpu.vector_load %arg7[%swap3A_62] {strides = array<i32>} : memref<65536xf32, #tpu.memory_space<vmem>>, vector<16xf32>,
      tpu.vector_store %arg7[%swap3A_62], %add3A_59 {strides = array<i32>} : memref<65536xf32, #tpu.memory_space<vmem>>, vector<16xf32>,
      %scan3A_64 = arith.constant 0 : i32
      scf.yield %scan3A_64 : i32
    }
    %scan3A_37 = arith.constant 4096 : i32
    %mul3A_38 = arith.constant 10240 : i32
    %mul3A_39 = arith.muli %add3A, %mul3A_38 : i32
    %scan3A_40 = arith.constant 0 : i32
    %scan3A_41 = arith.constant 0 : i32
    %scan3A_42 = arith.constant 4 : i32
    %scan3A_43 = arith.addi %scan3A_41, %scan3A_42 : i32
    %scan3A_44 = arith.constant 1 : i32
    %scan3A_45 = scf.for %scan3A_49 = %scan3A_41 to %scan3A_43 step %scan3A_44 iter_args(%scan3A_50 = %scan3A_40) -> (i32)  : i32 {
      %scan3A_51 = arith.constant 0 : i32
      %scan3A_52 = arith.constant 0 : i32
      %scan3A_53 = arith.constant 160 : i32
      %scan3A_54 = arith.addi %scan3A_52, %scan3A_53 : i32
      %scan3A_55 = arith.constant 1 : i32
      %scan3A_56 = scf.for %scan3A_81 = %scan3A_52 to %scan3A_54 step %scan3A_55 iter_args(%scan3A_82 = %scan3A_51) -> (i32)  : i32 {
        %mul3A_83 = arith.constant 2560 : i32
        %mul3A_84 = arith.muli %scan3A_49, %mul3A_83 : i32
        %add3A_85 = arith.addi %mul3A_39, %mul3A_84 : i32
        %mul3A_86 = arith.constant 16 : i32
        %mul3A_87 = arith.muli %scan3A_81, %mul3A_86 : i32
        %add3A_88 = arith.addi %add3A_85, %mul3A_87 : i32
        %add3A_89 = vector.broadcast %add3A_88 : i32 to vector<16xi32>
        %add3A_90 = arith.addi %add3A_89, %iota3A : vector<16xi32>
        %shift_right_logical3A = arith.constant 16 : i32
        %shift_right_logical3A_91 = vector.broadcast %shift_right_logical3A : i32 to vector<16xi32>
        %shift_right_logical3A_92 = arith.shrui %add3A_90, %shift_right_logical3A_91 : vector<16xi32>
        %xor3A = arith.xori %add3A_90, %shift_right_logical3A_92 : vector<16xi32>
        %mul3A_93 = arith.constant 2146121005 : i32
        %mul3A_94 = vector.broadcast %mul3A_93 : i32 to vector<16xi32>
        %mul3A_95 = arith.muli %xor3A, %mul3A_94 : vector<16xi32>
        %shift_right_logical3A_96 = arith.constant 15 : i32
        %shift_right_logical3A_97 = vector.broadcast %shift_right_logical3A_96 : i32 to vector<16xi32>
        %shift_right_logical3A_98 = arith.shrui %mul3A_95, %shift_right_logical3A_97 : vector<16xi32>
        %xor3A_99 = arith.xori %mul3A_95, %shift_right_logical3A_98 : vector<16xi32>
        %mul3A_100 = arith.constant -2073254261 : i32
        %mul3A_101 = vector.broadcast %mul3A_100 : i32 to vector<16xi32>
        %mul3A_102 = arith.muli %xor3A_99, %mul3A_101 : vector<16xi32>
        %shift_right_logical3A_103 = arith.constant 16 : i32
        %shift_right_logical3A_104 = vector.broadcast %shift_right_logical3A_103 : i32 to vector<16xi32>
        %shift_right_logical3A_105 = arith.shrui %mul3A_102, %shift_right_logical3A_104 : vector<16xi32>
        %xor3A_106 = arith.xori %mul3A_102, %shift_right_logical3A_105 : vector<16xi32>
        %convert_element_type3A = arith.uitofp %xor3A_106 : vector<16xi32> to vector<16xf32>
        %mul3A_107 = arith.constant 2.32830644E-10 : f32
        %mul3A_108 = vector.broadcast %mul3A_107 : f32 to vector<16xf32>
        %mul3A_109 = arith.mulf %convert_element_type3A, %mul3A_108 : vector<16xf32>
        %convert_element_type3A_110 = arith.sitofp %add3A_90 : vector<16xi32> to vector<16xf32>
        %add3A_111 = arith.addf %convert_element_type3A_110, %mul3A_109 : vector<16xf32>
        %mul3A_112 = vector.broadcast %mul3A_31 : f32 to vector<16xf32>
        %mul3A_113 = arith.mulf %add3A_111, %mul3A_112 : vector<16xf32>
        %broadcast_in_dim3A = arith.constant 0 : i32
        %broadcast_in_dim3A_114 = vector.broadcast %broadcast_in_dim3A : i32 to vector<16xi32>
        %sub3A_115 = arith.constant 32768 : i32
        %sub3A_116 = arith.constant 1 : i32
        %sub3A_117 = arith.subi %sub3A_115, %sub3A_116 : i32
        %add3A_118 = vector.broadcast %sub3A_117 : i32 to vector<16xi32>
        %add3A_119 = arith.addi %broadcast_in_dim3A_114, %add3A_118 : vector<16xi32>
        %gather3A_120 = tpu.vector_load_idx %arg7[%add3A_119] : memref<65536xf32, #tpu.memory_space<vmem>>[vector<16xi32>], vector<16xf32>,
        %lt3A = arith.cmpf olt, %gather3A_120, %mul3A_113 : vector<16xf32>
        %jit3A = arith.constant 32768 : i32
        %jit3A_121 = arith.constant 0 : i32
        %broadcast_in_dim3A_122 = vector.broadcast %jit3A : i32 to vector<16xi32>
        %broadcast_in_dim3A_123 = vector.broadcast %jit3A_121 : i32 to vector<16xi32>
        %select_n3A = arith.select %lt3A, %broadcast_in_dim3A_122, %broadcast_in_dim3A_123 : vector<16xi1>, vector<16xi32>
        %add3A_124 = arith.addi %broadcast_in_dim3A_114, %select_n3A : vector<16xi32>
        %sub3A_125 = arith.constant 16384 : i32
        %sub3A_126 = arith.constant 1 : i32
        %sub3A_127 = arith.subi %sub3A_125, %sub3A_126 : i32
        %add3A_128 = vector.broadcast %sub3A_127 : i32 to vector<16xi32>
        %add3A_129 = arith.addi %add3A_124, %add3A_128 : vector<16xi32>
        %gather3A_130 = tpu.vector_load_idx %arg7[%add3A_129] : memref<65536xf32, #tpu.memory_space<vmem>>[vector<16xi32>], vector<16xf32>,
        %lt3A_131 = arith.cmpf olt, %gather3A_130, %mul3A_113 : vector<16xf32>
        %jit3A_132 = arith.constant 16384 : i32
        %jit3A_133 = arith.constant 0 : i32
        %broadcast_in_dim3A_134 = vector.broadcast %jit3A_132 : i32 to vector<16xi32>
        %broadcast_in_dim3A_135 = vector.broadcast %jit3A_133 : i32 to vector<16xi32>
        %select_n3A_136 = arith.select %lt3A_131, %broadcast_in_dim3A_134, %broadcast_in_dim3A_135 : vector<16xi1>, vector<16xi32>
        %add3A_137 = arith.addi %add3A_124, %select_n3A_136 : vector<16xi32>
        %sub3A_138 = arith.constant 8192 : i32
        %sub3A_139 = arith.constant 1 : i32
        %sub3A_140 = arith.subi %sub3A_138, %sub3A_139 : i32
        %add3A_141 = vector.broadcast %sub3A_140 : i32 to vector<16xi32>
        %add3A_142 = arith.addi %add3A_137, %add3A_141 : vector<16xi32>
        %gather3A_143 = tpu.vector_load_idx %arg7[%add3A_142] : memref<65536xf32, #tpu.memory_space<vmem>>[vector<16xi32>], vector<16xf32>,
        %lt3A_144 = arith.cmpf olt, %gather3A_143, %mul3A_113 : vector<16xf32>
        %jit3A_145 = arith.constant 8192 : i32
        %jit3A_146 = arith.constant 0 : i32
        %broadcast_in_dim3A_147 = vector.broadcast %jit3A_145 : i32 to vector<16xi32>
        %broadcast_in_dim3A_148 = vector.broadcast %jit3A_146 : i32 to vector<16xi32>
        %select_n3A_149 = arith.select %lt3A_144, %broadcast_in_dim3A_147, %broadcast_in_dim3A_148 : vector<16xi1>, vector<16xi32>
        %add3A_150 = arith.addi %add3A_137, %select_n3A_149 : vector<16xi32>
        %sub3A_151 = arith.constant 4096 : i32
        %sub3A_152 = arith.constant 1 : i32
        %sub3A_153 = arith.subi %sub3A_151, %sub3A_152 : i32
        %add3A_154 = vector.broadcast %sub3A_153 : i32 to vector<16xi32>
        %add3A_155 = arith.addi %add3A_150, %add3A_154 : vector<16xi32>
        %gather3A_156 = tpu.vector_load_idx %arg7[%add3A_155] : memref<65536xf32, #tpu.memory_space<vmem>>[vector<16xi32>], vector<16xf32>,
        %lt3A_157 = arith.cmpf olt, %gather3A_156, %mul3A_113 : vector<16xf32>
        %jit3A_158 = arith.constant 4096 : i32
        %jit3A_159 = arith.constant 0 : i32
        %broadcast_in_dim3A_160 = vector.broadcast %jit3A_158 : i32 to vector<16xi32>
        %broadcast_in_dim3A_161 = vector.broadcast %jit3A_159 : i32 to vector<16xi32>
        %select_n3A_162 = arith.select %lt3A_157, %broadcast_in_dim3A_160, %broadcast_in_dim3A_161 : vector<16xi1>, vector<16xi32>
        %add3A_163 = arith.addi %add3A_150, %select_n3A_162 : vector<16xi32>
        %sub3A_164 = arith.constant 2048 : i32
        %sub3A_165 = arith.constant 1 : i32
        %sub3A_166 = arith.subi %sub3A_164, %sub3A_165 : i32
        %add3A_167 = vector.broadcast %sub3A_166 : i32 to vector<16xi32>
        %add3A_168 = arith.addi %add3A_163, %add3A_167 : vector<16xi32>
        %gather3A_169 = tpu.vector_load_idx %arg7[%add3A_168] : memref<65536xf32, #tpu.memory_space<vmem>>[vector<16xi32>], vector<16xf32>,
        %lt3A_170 = arith.cmpf olt, %gather3A_169, %mul3A_113 : vector<16xf32>
        %jit3A_171 = arith.constant 2048 : i32
        %jit3A_172 = arith.constant 0 : i32
        %broadcast_in_dim3A_173 = vector.broadcast %jit3A_171 : i32 to vector<16xi32>
        %broadcast_in_dim3A_174 = vector.broadcast %jit3A_172 : i32 to vector<16xi32>
        %select_n3A_175 = arith.select %lt3A_170, %broadcast_in_dim3A_173, %broadcast_in_dim3A_174 : vector<16xi1>, vector<16xi32>
        %add3A_176 = arith.addi %add3A_163, %select_n3A_175 : vector<16xi32>
        %sub3A_177 = arith.constant 1024 : i32
        %sub3A_178 = arith.constant 1 : i32
        %sub3A_179 = arith.subi %sub3A_177, %sub3A_178 : i32
        %add3A_180 = vector.broadcast %sub3A_179 : i32 to vector<16xi32>
        %add3A_181 = arith.addi %add3A_176, %add3A_180 : vector<16xi32>
        %gather3A_182 = tpu.vector_load_idx %arg7[%add3A_181] : memref<65536xf32, #tpu.memory_space<vmem>>[vector<16xi32>], vector<16xf32>,
        %lt3A_183 = arith.cmpf olt, %gather3A_182, %mul3A_113 : vector<16xf32>
        %jit3A_184 = arith.constant 1024 : i32
        %jit3A_185 = arith.constant 0 : i32
        %broadcast_in_dim3A_186 = vector.broadcast %jit3A_184 : i32 to vector<16xi32>
        %broadcast_in_dim3A_187 = vector.broadcast %jit3A_185 : i32 to vector<16xi32>
        %select_n3A_188 = arith.select %lt3A_183, %broadcast_in_dim3A_186, %broadcast_in_dim3A_187 : vector<16xi1>, vector<16xi32>
        %add3A_189 = arith.addi %add3A_176, %select_n3A_188 : vector<16xi32>
        %sub3A_190 = arith.constant 512 : i32
        %sub3A_191 = arith.constant 1 : i32
        %sub3A_192 = arith.subi %sub3A_190, %sub3A_191 : i32
        %add3A_193 = vector.broadcast %sub3A_192 : i32 to vector<16xi32>
        %add3A_194 = arith.addi %add3A_189, %add3A_193 : vector<16xi32>
        %gather3A_195 = tpu.vector_load_idx %arg7[%add3A_194] : memref<65536xf32, #tpu.memory_space<vmem>>[vector<16xi32>], vector<16xf32>,
        %lt3A_196 = arith.cmpf olt, %gather3A_195, %mul3A_113 : vector<16xf32>
        %jit3A_197 = arith.constant 512 : i32
        %jit3A_198 = arith.constant 0 : i32
        %broadcast_in_dim3A_199 = vector.broadcast %jit3A_197 : i32 to vector<16xi32>
        %broadcast_in_dim3A_200 = vector.broadcast %jit3A_198 : i32 to vector<16xi32>
        %select_n3A_201 = arith.select %lt3A_196, %broadcast_in_dim3A_199, %broadcast_in_dim3A_200 : vector<16xi1>, vector<16xi32>
        %add3A_202 = arith.addi %add3A_189, %select_n3A_201 : vector<16xi32>
        %sub3A_203 = arith.constant 256 : i32
        %sub3A_204 = arith.constant 1 : i32
        %sub3A_205 = arith.subi %sub3A_203, %sub3A_204 : i32
        %add3A_206 = vector.broadcast %sub3A_205 : i32 to vector<16xi32>
        %add3A_207 = arith.addi %add3A_202, %add3A_206 : vector<16xi32>
        %gather3A_208 = tpu.vector_load_idx %arg7[%add3A_207] : memref<65536xf32, #tpu.memory_space<vmem>>[vector<16xi32>], vector<16xf32>,
        %lt3A_209 = arith.cmpf olt, %gather3A_208, %mul3A_113 : vector<16xf32>
        %jit3A_210 = arith.constant 256 : i32
        %jit3A_211 = arith.constant 0 : i32
        %broadcast_in_dim3A_212 = vector.broadcast %jit3A_210 : i32 to vector<16xi32>
        %broadcast_in_dim3A_213 = vector.broadcast %jit3A_211 : i32 to vector<16xi32>
        %select_n3A_214 = arith.select %lt3A_209, %broadcast_in_dim3A_212, %broadcast_in_dim3A_213 : vector<16xi1>, vector<16xi32>
        %add3A_215 = arith.addi %add3A_202, %select_n3A_214 : vector<16xi32>
        %sub3A_216 = arith.constant 128 : i32
        %sub3A_217 = arith.constant 1 : i32
        %sub3A_218 = arith.subi %sub3A_216, %sub3A_217 : i32
        %add3A_219 = vector.broadcast %sub3A_218 : i32 to vector<16xi32>
        %add3A_220 = arith.addi %add3A_215, %add3A_219 : vector<16xi32>
        %gather3A_221 = tpu.vector_load_idx %arg7[%add3A_220] : memref<65536xf32, #tpu.memory_space<vmem>>[vector<16xi32>], vector<16xf32>,
        %lt3A_222 = arith.cmpf olt, %gather3A_221, %mul3A_113 : vector<16xf32>
        %jit3A_223 = arith.constant 128 : i32
        %jit3A_224 = arith.constant 0 : i32
        %broadcast_in_dim3A_225 = vector.broadcast %jit3A_223 : i32 to vector<16xi32>
        %broadcast_in_dim3A_226 = vector.broadcast %jit3A_224 : i32 to vector<16xi32>
        %select_n3A_227 = arith.select %lt3A_222, %broadcast_in_dim3A_225, %broadcast_in_dim3A_226 : vector<16xi1>, vector<16xi32>
        %add3A_228 = arith.addi %add3A_215, %select_n3A_227 : vector<16xi32>
        %sub3A_229 = arith.constant 64 : i32
        %sub3A_230 = arith.constant 1 : i32
        %sub3A_231 = arith.subi %sub3A_229, %sub3A_230 : i32
        %add3A_232 = vector.broadcast %sub3A_231 : i32 to vector<16xi32>
        %add3A_233 = arith.addi %add3A_228, %add3A_232 : vector<16xi32>
        %gather3A_234 = tpu.vector_load_idx %arg7[%add3A_233] : memref<65536xf32, #tpu.memory_space<vmem>>[vector<16xi32>], vector<16xf32>,
        %lt3A_235 = arith.cmpf olt, %gather3A_234, %mul3A_113 : vector<16xf32>
        %jit3A_236 = arith.constant 64 : i32
        %jit3A_237 = arith.constant 0 : i32
        %broadcast_in_dim3A_238 = vector.broadcast %jit3A_236 : i32 to vector<16xi32>
        %broadcast_in_dim3A_239 = vector.broadcast %jit3A_237 : i32 to vector<16xi32>
        %select_n3A_240 = arith.select %lt3A_235, %broadcast_in_dim3A_238, %broadcast_in_dim3A_239 : vector<16xi1>, vector<16xi32>
        %add3A_241 = arith.addi %add3A_228, %select_n3A_240 : vector<16xi32>
        %sub3A_242 = arith.constant 32 : i32
        %sub3A_243 = arith.constant 1 : i32
        %sub3A_244 = arith.subi %sub3A_242, %sub3A_243 : i32
        %add3A_245 = vector.broadcast %sub3A_244 : i32 to vector<16xi32>
        %add3A_246 = arith.addi %add3A_241, %add3A_245 : vector<16xi32>
        %gather3A_247 = tpu.vector_load_idx %arg7[%add3A_246] : memref<65536xf32, #tpu.memory_space<vmem>>[vector<16xi32>], vector<16xf32>,
        %lt3A_248 = arith.cmpf olt, %gather3A_247, %mul3A_113 : vector<16xf32>
        %jit3A_249 = arith.constant 32 : i32
        %jit3A_250 = arith.constant 0 : i32
        %broadcast_in_dim3A_251 = vector.broadcast %jit3A_249 : i32 to vector<16xi32>
        %broadcast_in_dim3A_252 = vector.broadcast %jit3A_250 : i32 to vector<16xi32>
        %select_n3A_253 = arith.select %lt3A_248, %broadcast_in_dim3A_251, %broadcast_in_dim3A_252 : vector<16xi1>, vector<16xi32>
        %add3A_254 = arith.addi %add3A_241, %select_n3A_253 : vector<16xi32>
        %sub3A_255 = arith.constant 16 : i32
        %sub3A_256 = arith.constant 1 : i32
        %sub3A_257 = arith.subi %sub3A_255, %sub3A_256 : i32
        %add3A_258 = vector.broadcast %sub3A_257 : i32 to vector<16xi32>
        %add3A_259 = arith.addi %add3A_254, %add3A_258 : vector<16xi32>
        %gather3A_260 = tpu.vector_load_idx %arg7[%add3A_259] : memref<65536xf32, #tpu.memory_space<vmem>>[vector<16xi32>], vector<16xf32>,
        %lt3A_261 = arith.cmpf olt, %gather3A_260, %mul3A_113 : vector<16xf32>
        %jit3A_262 = arith.constant 16 : i32
        %jit3A_263 = arith.constant 0 : i32
        %broadcast_in_dim3A_264 = vector.broadcast %jit3A_262 : i32 to vector<16xi32>
        %broadcast_in_dim3A_265 = vector.broadcast %jit3A_263 : i32 to vector<16xi32>
        %select_n3A_266 = arith.select %lt3A_261, %broadcast_in_dim3A_264, %broadcast_in_dim3A_265 : vector<16xi1>, vector<16xi32>
        %add3A_267 = arith.addi %add3A_254, %select_n3A_266 : vector<16xi32>
        %sub3A_268 = arith.constant 8 : i32
        %sub3A_269 = arith.constant 1 : i32
        %sub3A_270 = arith.subi %sub3A_268, %sub3A_269 : i32
        %add3A_271 = vector.broadcast %sub3A_270 : i32 to vector<16xi32>
        %add3A_272 = arith.addi %add3A_267, %add3A_271 : vector<16xi32>
        %gather3A_273 = tpu.vector_load_idx %arg7[%add3A_272] : memref<65536xf32, #tpu.memory_space<vmem>>[vector<16xi32>], vector<16xf32>,
        %lt3A_274 = arith.cmpf olt, %gather3A_273, %mul3A_113 : vector<16xf32>
        %jit3A_275 = arith.constant 8 : i32
        %jit3A_276 = arith.constant 0 : i32
        %broadcast_in_dim3A_277 = vector.broadcast %jit3A_275 : i32 to vector<16xi32>
        %broadcast_in_dim3A_278 = vector.broadcast %jit3A_276 : i32 to vector<16xi32>
        %select_n3A_279 = arith.select %lt3A_274, %broadcast_in_dim3A_277, %broadcast_in_dim3A_278 : vector<16xi1>, vector<16xi32>
        %add3A_280 = arith.addi %add3A_267, %select_n3A_279 : vector<16xi32>
        %sub3A_281 = arith.constant 4 : i32
        %sub3A_282 = arith.constant 1 : i32
        %sub3A_283 = arith.subi %sub3A_281, %sub3A_282 : i32
        %add3A_284 = vector.broadcast %sub3A_283 : i32 to vector<16xi32>
        %add3A_285 = arith.addi %add3A_280, %add3A_284 : vector<16xi32>
        %gather3A_286 = tpu.vector_load_idx %arg7[%add3A_285] : memref<65536xf32, #tpu.memory_space<vmem>>[vector<16xi32>], vector<16xf32>,
        %lt3A_287 = arith.cmpf olt, %gather3A_286, %mul3A_113 : vector<16xf32>
        %jit3A_288 = arith.constant 4 : i32
        %jit3A_289 = arith.constant 0 : i32
        %broadcast_in_dim3A_290 = vector.broadcast %jit3A_288 : i32 to vector<16xi32>
        %broadcast_in_dim3A_291 = vector.broadcast %jit3A_289 : i32 to vector<16xi32>
        %select_n3A_292 = arith.select %lt3A_287, %broadcast_in_dim3A_290, %broadcast_in_dim3A_291 : vector<16xi1>, vector<16xi32>
        %add3A_293 = arith.addi %add3A_280, %select_n3A_292 : vector<16xi32>
        %sub3A_294 = arith.constant 2 : i32
        %sub3A_295 = arith.constant 1 : i32
        %sub3A_296 = arith.subi %sub3A_294, %sub3A_295 : i32
        %add3A_297 = vector.broadcast %sub3A_296 : i32 to vector<16xi32>
        %add3A_298 = arith.addi %add3A_293, %add3A_297 : vector<16xi32>
        %gather3A_299 = tpu.vector_load_idx %arg7[%add3A_298] : memref<65536xf32, #tpu.memory_space<vmem>>[vector<16xi32>], vector<16xf32>,
        %lt3A_300 = arith.cmpf olt, %gather3A_299, %mul3A_113 : vector<16xf32>
        %jit3A_301 = arith.constant 2 : i32
        %jit3A_302 = arith.constant 0 : i32
        %broadcast_in_dim3A_303 = vector.broadcast %jit3A_301 : i32 to vector<16xi32>
        %broadcast_in_dim3A_304 = vector.broadcast %jit3A_302 : i32 to vector<16xi32>
        %select_n3A_305 = arith.select %lt3A_300, %broadcast_in_dim3A_303, %broadcast_in_dim3A_304 : vector<16xi1>, vector<16xi32>
        %add3A_306 = arith.addi %add3A_293, %select_n3A_305 : vector<16xi32>
        %sub3A_307 = arith.constant 1 : i32
        %sub3A_308 = arith.constant 1 : i32
        %sub3A_309 = arith.subi %sub3A_307, %sub3A_308 : i32
        %add3A_310 = vector.broadcast %sub3A_309 : i32 to vector<16xi32>
        %add3A_311 = arith.addi %add3A_306, %add3A_310 : vector<16xi32>
        %gather3A_312 = tpu.vector_load_idx %arg7[%add3A_311] : memref<65536xf32, #tpu.memory_space<vmem>>[vector<16xi32>], vector<16xf32>,
        %lt3A_313 = arith.cmpf olt, %gather3A_312, %mul3A_113 : vector<16xf32>
        %jit3A_314 = arith.constant 1 : i32
        %jit3A_315 = arith.constant 0 : i32
        %broadcast_in_dim3A_316 = vector.broadcast %jit3A_314 : i32 to vector<16xi32>
        %broadcast_in_dim3A_317 = vector.broadcast %jit3A_315 : i32 to vector<16xi32>
        %select_n3A_318 = arith.select %lt3A_313, %broadcast_in_dim3A_316, %broadcast_in_dim3A_317 : vector<16xi1>, vector<16xi32>
        %add3A_319 = arith.addi %add3A_306, %select_n3A_318 : vector<16xi32>
        %mul3A_320 = arith.constant 16 : i32
        %mul3A_321 = arith.muli %scan3A_81, %mul3A_320 : i32
        %swap3A_322 = arith.index_cast %mul3A_321 : i32 to index
        %swap3A_323 = tpu.vector_load %arg10[%swap3A_322] {strides = array<i32>} : memref<2560xf32, #tpu.memory_space<vmem>>, vector<16xf32>,
        tpu.vector_store %arg10[%swap3A_322], %mul3A_113 {strides = array<i32>} : memref<2560xf32, #tpu.memory_space<vmem>>, vector<16xf32>,
        %mul3A_324 = arith.constant 16 : i32
        %mul3A_325 = arith.muli %scan3A_81, %mul3A_324 : i32
        %swap3A_326 = arith.index_cast %mul3A_325 : i32 to index
        %swap3A_327 = tpu.vector_load %arg11[%swap3A_326] {strides = array<i32>} : memref<2560xi32, #tpu.memory_space<vmem>>, vector<16xi32>,
        tpu.vector_store %arg11[%swap3A_326], %add3A_319 {strides = array<i32>} : memref<2560xi32, #tpu.memory_space<vmem>>, vector<16xi32>,
        %scan3A_328 = arith.constant 0 : i32
        scf.yield %scan3A_328 : i32
      }
      %scan3A_57 = arith.constant 160 : i32
      %dma_start3A = arith.constant 0 : i32
      %dma_start3A_58 = arith.constant 0 : i32
      %dma_start3A_59 = tpu.memref_slice %arg2[%dma_start3A, %dma_start3A_58] : memref<65536x16xf32, #tpu.memory_space<hbm>> -> memref<65536x16xf32, #tpu.memory_space<hbm>>
      tpu.enqueue_indirect_dma source(%dma_start3A_59 : memref<65536x16xf32, #tpu.memory_space<hbm>>) target(%arg12 : memref<2560x16xf32, #tpu.memory_space<vmem>>) offsets(%arg11 : memref<2560xi32, #tpu.memory_space<vmem>>) semaphore(%arg15 : memref<!tpu.dma_semaphore, #tpu.memory_space<semaphore_mem>>)
      %dma_wait3A = arith.constant 0 : i32
      %dma_wait3A_60 = arith.constant 0 : i32
      %dma_wait3A_61 = tpu.memref_slice %arg2[%dma_wait3A, %dma_wait3A_60] : memref<65536x16xf32, #tpu.memory_space<hbm>> -> memref<65536x16xf32, #tpu.memory_space<hbm>>
      tpu.wait_indirect_dma semaphore(%arg15 : memref<!tpu.dma_semaphore, #tpu.memory_space<semaphore_mem>>) src(%dma_wait3A_61 : memref<65536x16xf32, #tpu.memory_space<hbm>>) dst(%arg12 : memref<2560x16xf32, #tpu.memory_space<vmem>>)
      %scan3A_62 = arith.constant 0 : i32
      %scan3A_63 = arith.constant 0 : i32
      %scan3A_64 = arith.constant 160 : i32
      %scan3A_65 = arith.addi %scan3A_63, %scan3A_64 : i32
      %scan3A_66 = arith.constant 1 : i32
      %scan3A_67 = scf.for %scan3A_81 = %scan3A_63 to %scan3A_65 step %scan3A_66 iter_args(%scan3A_82 = %scan3A_62) -> (i32)  : i32 {
        %mul3A_83 = arith.constant 16 : i32
        %mul3A_84 = arith.muli %scan3A_81, %mul3A_83 : i32
        %get3A = arith.index_cast %mul3A_84 : i32 to index
        %get3A_85 = tpu.vector_load %arg10[%get3A] {strides = array<i32>} : memref<2560xf32, #tpu.memory_space<vmem>>, vector<16xf32>,
        %mul3A_86 = arith.constant 16 : i32
        %mul3A_87 = arith.muli %scan3A_81, %mul3A_86 : i32
        %get3A_88 = arith.index_cast %mul3A_87 : i32 to index
        %get3A_89 = tpu.vector_load %arg11[%get3A_88] {strides = array<i32>} : memref<2560xi32, #tpu.memory_space<vmem>>, vector<16xi32>,
        %shift_right_arithmetic3A = arith.constant 11 : i32
        %shift_right_arithmetic3A_90 = vector.broadcast %shift_right_arithmetic3A : i32 to vector<16xi32>
        %shift_right_arithmetic3A_91 = arith.shrsi %get3A_89, %shift_right_arithmetic3A_90 : vector<16xi32>
        %gather3A_92 = tpu.vector_load_idx %arg9[%shift_right_arithmetic3A_91] : memref<32xf32, #tpu.memory_space<vmem>>[vector<16xi32>], vector<16xf32>,
        %sub3A_93 = arith.subf %get3A_85, %gather3A_92 : vector<16xf32>
        %mul3A_94 = arith.constant 16 : i32
        %mul3A_95 = arith.muli %scan3A_81, %mul3A_94 : i32
        %add3A_96 = vector.broadcast %mul3A_95 : i32 to vector<16xi32>
        %add3A_97 = arith.addi %add3A_96, %iota3A : vector<16xi32>
        %broadcast_in_dim3A = arith.constant 0 : i32
        %broadcast_in_dim3A_98 = vector.broadcast %broadcast_in_dim3A : i32 to vector<16xi32>
        %sub3A_99 = arith.constant 8 : i32
        %sub3A_100 = arith.constant 1 : i32
        %sub3A_101 = arith.subi %sub3A_99, %sub3A_100 : i32
        %add3A_102 = vector.broadcast %sub3A_101 : i32 to vector<16xi32>
        %add3A_103 = arith.addi %broadcast_in_dim3A_98, %add3A_102 : vector<16xi32>
        %gather3A_104 = tpu.vector_load_idx %arg12[%add3A_97, %add3A_103] : memref<2560x16xf32, #tpu.memory_space<vmem>>[vector<16xi32>, vector<16xi32>], vector<16xf32>,
        %lt3A = arith.cmpf olt, %gather3A_104, %sub3A_93 : vector<16xf32>
        %jit3A = arith.constant 8 : i32
        %jit3A_105 = arith.constant 0 : i32
        %broadcast_in_dim3A_106 = vector.broadcast %jit3A : i32 to vector<16xi32>
        %broadcast_in_dim3A_107 = vector.broadcast %jit3A_105 : i32 to vector<16xi32>
        %select_n3A = arith.select %lt3A, %broadcast_in_dim3A_106, %broadcast_in_dim3A_107 : vector<16xi1>, vector<16xi32>
        %add3A_108 = arith.addi %broadcast_in_dim3A_98, %select_n3A : vector<16xi32>
        %sub3A_109 = arith.constant 4 : i32
        %sub3A_110 = arith.constant 1 : i32
        %sub3A_111 = arith.subi %sub3A_109, %sub3A_110 : i32
        %add3A_112 = vector.broadcast %sub3A_111 : i32 to vector<16xi32>
        %add3A_113 = arith.addi %add3A_108, %add3A_112 : vector<16xi32>
        %gather3A_114 = tpu.vector_load_idx %arg12[%add3A_97, %add3A_113] : memref<2560x16xf32, #tpu.memory_space<vmem>>[vector<16xi32>, vector<16xi32>], vector<16xf32>,
        %lt3A_115 = arith.cmpf olt, %gather3A_114, %sub3A_93 : vector<16xf32>
        %jit3A_116 = arith.constant 4 : i32
        %jit3A_117 = arith.constant 0 : i32
        %broadcast_in_dim3A_118 = vector.broadcast %jit3A_116 : i32 to vector<16xi32>
        %broadcast_in_dim3A_119 = vector.broadcast %jit3A_117 : i32 to vector<16xi32>
        %select_n3A_120 = arith.select %lt3A_115, %broadcast_in_dim3A_118, %broadcast_in_dim3A_119 : vector<16xi1>, vector<16xi32>
        %add3A_121 = arith.addi %add3A_108, %select_n3A_120 : vector<16xi32>
        %sub3A_122 = arith.constant 2 : i32
        %sub3A_123 = arith.constant 1 : i32
        %sub3A_124 = arith.subi %sub3A_122, %sub3A_123 : i32
        %add3A_125 = vector.broadcast %sub3A_124 : i32 to vector<16xi32>
        %add3A_126 = arith.addi %add3A_121, %add3A_125 : vector<16xi32>
        %gather3A_127 = tpu.vector_load_idx %arg12[%add3A_97, %add3A_126] : memref<2560x16xf32, #tpu.memory_space<vmem>>[vector<16xi32>, vector<16xi32>], vector<16xf32>,
        %lt3A_128 = arith.cmpf olt, %gather3A_127, %sub3A_93 : vector<16xf32>
        %jit3A_129 = arith.constant 2 : i32
        %jit3A_130 = arith.constant 0 : i32
        %broadcast_in_dim3A_131 = vector.broadcast %jit3A_129 : i32 to vector<16xi32>
        %broadcast_in_dim3A_132 = vector.broadcast %jit3A_130 : i32 to vector<16xi32>
        %select_n3A_133 = arith.select %lt3A_128, %broadcast_in_dim3A_131, %broadcast_in_dim3A_132 : vector<16xi1>, vector<16xi32>
        %add3A_134 = arith.addi %add3A_121, %select_n3A_133 : vector<16xi32>
        %sub3A_135 = arith.constant 1 : i32
        %sub3A_136 = arith.constant 1 : i32
        %sub3A_137 = arith.subi %sub3A_135, %sub3A_136 : i32
        %add3A_138 = vector.broadcast %sub3A_137 : i32 to vector<16xi32>
        %add3A_139 = arith.addi %add3A_134, %add3A_138 : vector<16xi32>
        %gather3A_140 = tpu.vector_load_idx %arg12[%add3A_97, %add3A_139] : memref<2560x16xf32, #tpu.memory_space<vmem>>[vector<16xi32>, vector<16xi32>], vector<16xf32>,
        %lt3A_141 = arith.cmpf olt, %gather3A_140, %sub3A_93 : vector<16xf32>
        %jit3A_142 = arith.constant 1 : i32
        %jit3A_143 = arith.constant 0 : i32
        %broadcast_in_dim3A_144 = vector.broadcast %jit3A_142 : i32 to vector<16xi32>
        %broadcast_in_dim3A_145 = vector.broadcast %jit3A_143 : i32 to vector<16xi32>
        %select_n3A_146 = arith.select %lt3A_141, %broadcast_in_dim3A_144, %broadcast_in_dim3A_145 : vector<16xi1>, vector<16xi32>
        %add3A_147 = arith.addi %add3A_134, %select_n3A_146 : vector<16xi32>
        %mul3A_148 = arith.constant 16 : i32
        %mul3A_149 = vector.broadcast %mul3A_148 : i32 to vector<16xi32>
        %mul3A_150 = arith.muli %get3A_89, %mul3A_149 : vector<16xi32>
        %add3A_151 = arith.addi %mul3A_150, %add3A_147 : vector<16xi32>
        %min3A = arith.constant 999999 : i32
        %min3A_152 = vector.broadcast %min3A : i32 to vector<16xi32>
        %min3A_153 = arith.minsi %add3A_151, %min3A_152 : vector<16xi32>
        %mul3A_154 = arith.constant 16 : i32
        %mul3A_155 = arith.muli %scan3A_81, %mul3A_154 : i32
        %swap3A_156 = arith.index_cast %mul3A_155 : i32 to index
        %swap3A_157 = tpu.vector_load %arg11[%swap3A_156] {strides = array<i32>} : memref<2560xi32, #tpu.memory_space<vmem>>, vector<16xi32>,
        tpu.vector_store %arg11[%swap3A_156], %min3A_153 {strides = array<i32>} : memref<2560xi32, #tpu.memory_space<vmem>>, vector<16xi32>,
        %scan3A_158 = arith.constant 0 : i32
        scf.yield %scan3A_158 : i32
      }
      %scan3A_68 = arith.constant 160 : i32
      %dma_start3A_69 = arith.constant 0 : i32
      %dma_start3A_70 = tpu.memref_slice %arg5[%dma_start3A_69] : memref<1000000xf32, #tpu.memory_space<hbm>> -> memref<1000000xf32, #tpu.memory_space<hbm>>
      tpu.enqueue_indirect_dma source(%dma_start3A_70 : memref<1000000xf32, #tpu.memory_space<hbm>>) target(%arg13 : memref<2560xf32, #tpu.memory_space<vmem>>) offsets(%arg11 : memref<2560xi32, #tpu.memory_space<vmem>>) semaphore(%arg15 : memref<!tpu.dma_semaphore, #tpu.memory_space<semaphore_mem>>)
      %dma_wait3A_71 = arith.constant 0 : i32
      %dma_wait3A_72 = tpu.memref_slice %arg5[%dma_wait3A_71] : memref<1000000xf32, #tpu.memory_space<hbm>> -> memref<1000000xf32, #tpu.memory_space<hbm>>
      tpu.wait_indirect_dma semaphore(%arg15 : memref<!tpu.dma_semaphore, #tpu.memory_space<semaphore_mem>>) src(%dma_wait3A_72 : memref<1000000xf32, #tpu.memory_space<hbm>>) dst(%arg13 : memref<2560xf32, #tpu.memory_space<vmem>>)
      %scan3A_73 = arith.constant 0 : i32
      %scan3A_74 = arith.constant 0 : i32
      %scan3A_75 = arith.constant 8 : i32
      %scan3A_76 = arith.addi %scan3A_74, %scan3A_75 : i32
      %scan3A_77 = arith.constant 1 : i32
      %scan3A_78 = scf.for %scan3A_81 = %scan3A_74 to %scan3A_76 step %scan3A_77 iter_args(%scan3A_82 = %scan3A_73) -> (i32)  : i32 {
        %mul3A_83 = arith.constant 16 : i32
        %mul3A_84 = arith.muli %scan3A_81, %mul3A_83 : i32
        %add3A_85 = vector.broadcast %mul3A_84 : i32 to vector<16xi32>
        %add3A_86 = arith.addi %add3A_85, %iota3A : vector<16xi32>
        %broadcast_in_dim3A = arith.constant 0.000000e+00 : f32
        %broadcast_in_dim3A_87 = vector.broadcast %broadcast_in_dim3A : f32 to vector<16xf32>
        %scan3A_88 = arith.constant 0 : i32
        %scan3A_89 = arith.constant 20 : i32
        %scan3A_90 = arith.addi %scan3A_88, %scan3A_89 : i32
        %scan3A_91 = arith.constant 1 : i32
        %scan3A_92 = scf.for %scan3A_105 = %scan3A_88 to %scan3A_90 step %scan3A_91 iter_args(%scan3A_106 = %broadcast_in_dim3A_87) -> (vector<16xf32>)  : i32 {
          %mul3A_107 = arith.constant 20 : i32
          %mul3A_108 = vector.broadcast %mul3A_107 : i32 to vector<16xi32>
          %mul3A_109 = arith.muli %add3A_86, %mul3A_108 : vector<16xi32>
          %add3A_110 = vector.broadcast %scan3A_105 : i32 to vector<16xi32>
          %add3A_111 = arith.addi %mul3A_109, %add3A_110 : vector<16xi32>
          %gather3A_112 = tpu.vector_load_idx %arg13[%add3A_111] : memref<2560xf32, #tpu.memory_space<vmem>>[vector<16xi32>], vector<16xf32>,
          %add3A_113 = arith.addf %scan3A_106, %gather3A_112 : vector<16xf32>
          scf.yield %add3A_113 : vector<16xf32>
        }
        %scan3A_93 = arith.constant 20 : i32
        %mul3A_94 = arith.constant 5.000000e-02 : f32
        %mul3A_95 = vector.broadcast %mul3A_94 : f32 to vector<16xf32>
        %mul3A_96 = arith.mulf %scan3A_92, %mul3A_95 : vector<16xf32>
        %mul3A_97 = arith.constant 128 : i32
        %mul3A_98 = arith.muli %scan3A_49, %mul3A_97 : i32
        %mul3A_99 = arith.constant 16 : i32
        %mul3A_100 = arith.muli %scan3A_81, %mul3A_99 : i32
        %add3A_101 = arith.addi %mul3A_98, %mul3A_100 : i32
        %swap3A_102 = arith.index_cast %add3A_101 : i32 to index
        %swap3A_103 = tpu.vector_load %arg14[%swap3A_102] {strides = array<i32>} : memref<512xf32, #tpu.memory_space<vmem>>, vector<16xf32>,
        tpu.vector_store %arg14[%swap3A_102], %mul3A_96 {strides = array<i32>} : memref<512xf32, #tpu.memory_space<vmem>>, vector<16xf32>,
        %scan3A_104 = arith.constant 0 : i32
        scf.yield %scan3A_104 : i32
      }
      %scan3A_79 = arith.constant 8 : i32
      %scan3A_80 = arith.constant 0 : i32
      scf.yield %scan3A_80 : i32
    }
    %scan3A_46 = arith.constant 4 : i32
    %mul3A_47 = arith.constant 512 : i32
    %mul3A_48 = arith.muli %add3A, %mul3A_47 : i32
    "tpu.region"() ({
      %run_scoped3A = tpu.sem_alloc : memref<!tpu.dma_semaphore, #tpu.memory_space<semaphore_mem>>
      %dma_start3A = tpu.memref_slice %arg6[%mul3A_48] : memref<16384xf32, #tpu.memory_space<hbm>> -> memref<512xf32, #tpu.memory_space<hbm>>
      %dma_start3A_49 = tpu.memref_slice %arg6[%mul3A_48] : memref<16384xf32, #tpu.memory_space<hbm>> -> memref<512xf32, #tpu.memory_space<hbm>>
      tpu.enqueue_dma source(%arg14 : memref<512xf32, #tpu.memory_space<vmem>>) target(%dma_start3A_49 : memref<512xf32, #tpu.memory_space<hbm>>) target_semaphore(%run_scoped3A : memref<!tpu.dma_semaphore, #tpu.memory_space<semaphore_mem>>)
      %dma_wait3A = tpu.memref_slice %arg6[%mul3A_48] : memref<16384xf32, #tpu.memory_space<hbm>> -> memref<512xf32, #tpu.memory_space<hbm>>
      %dma_wait3A_50 = tpu.memref_slice %arg6[%mul3A_48] : memref<16384xf32, #tpu.memory_space<hbm>> -> memref<512xf32, #tpu.memory_space<hbm>>
      tpu.wait_dma2 semaphore(%run_scoped3A : memref<!tpu.dma_semaphore, #tpu.memory_space<semaphore_mem>>) src(%arg14 : memref<512xf32, #tpu.memory_space<vmem>>) dst(%dma_wait3A_50 : memref<512xf32, #tpu.memory_space<hbm>>)
      tpu.yield
    }) : () -> ()
    return
  }
}

#map = affine_map<(d0, d1) -> (0)>
module attributes {stable_mosaic.version = 14 : i64} {
  func.func @cdf_kernel(%arg0: i32, %arg1: i32, %arg2: memref<1048576xf32, #tpu.memory_space<hbm>>, %arg3: memref<1048576xf32, #tpu.memory_space<hbm>>, %arg4: memref<65536xf32, #tpu.memory_space<hbm>>, %arg5: memref<512xf32, #tpu.memory_space<hbm>>, %arg6: memref<32768xf32, #tpu.memory_space<vmem>>, %arg7: memref<2048xf32, #tpu.memory_space<vmem>>, %arg8: memref<16xf32, #tpu.memory_space<vmem>>) attributes {dimension_semantics = [#tpu.dimension_semantics<core_parallel>, #tpu.dimension_semantics<subcore_parallel>], iteration_bounds = array<i64: 2, 16>, scalar_prefetch = 0 : i64, scratch_operands = 3 : i64, tpu.core_type = #tpu.core_type<sc_vector_subcore>, window_params = [{transform_indices = #map}, {transform_indices = #map}, {transform_indices = #map}, {transform_indices = #map}]} {
    %mul3A = arith.constant 16 : i32
    %mul3A_0 = arith.muli %arg0, %mul3A : i32
    %add3A = arith.addi %mul3A_0, %arg1 : i32
    %mul3A_1 = arith.constant 32768 : i32
    %mul3A_2 = arith.muli %add3A, %mul3A_1 : i32
    "tpu.region"() ({
      %run_scoped3A = tpu.sem_alloc : memref<!tpu.dma_semaphore, #tpu.memory_space<semaphore_mem>>
      %dma_start3A = tpu.memref_slice %arg2[%mul3A_2] : memref<1048576xf32, #tpu.memory_space<hbm>> -> memref<32768xf32, #tpu.memory_space<hbm>>
      %dma_start3A_23 = tpu.memref_slice %arg2[%mul3A_2] : memref<1048576xf32, #tpu.memory_space<hbm>> -> memref<32768xf32, #tpu.memory_space<hbm>>
      tpu.enqueue_dma source(%dma_start3A_23 : memref<32768xf32, #tpu.memory_space<hbm>>) target(%arg6 : memref<32768xf32, #tpu.memory_space<vmem>>) target_semaphore(%run_scoped3A : memref<!tpu.dma_semaphore, #tpu.memory_space<semaphore_mem>>)
      %dma_wait3A = tpu.memref_slice %arg2[%mul3A_2] : memref<1048576xf32, #tpu.memory_space<hbm>> -> memref<32768xf32, #tpu.memory_space<hbm>>
      %dma_wait3A_24 = tpu.memref_slice %arg2[%mul3A_2] : memref<1048576xf32, #tpu.memory_space<hbm>> -> memref<32768xf32, #tpu.memory_space<hbm>>
      tpu.wait_dma2 semaphore(%run_scoped3A : memref<!tpu.dma_semaphore, #tpu.memory_space<semaphore_mem>>) src(%dma_wait3A_24 : memref<32768xf32, #tpu.memory_space<hbm>>) dst(%arg6 : memref<32768xf32, #tpu.memory_space<vmem>>)
      tpu.yield
    }) : () -> ()
    %scan3A = arith.constant 0.000000e+00 : f32
    %scan3A_3 = arith.constant 0 : i32
    %scan3A_4 = arith.constant 2048 : i32
    %scan3A_5 = arith.addi %scan3A_3, %scan3A_4 : i32
    %scan3A_6 = arith.constant 1 : i32
    %scan3A_7 = scf.for %scan3A_23 = %scan3A_3 to %scan3A_5 step %scan3A_6 iter_args(%scan3A_24 = %scan3A) -> (f32)  : i32 {
      %mul3A_25 = arith.constant 16 : i32
      %mul3A_26 = arith.muli %scan3A_23, %mul3A_25 : i32
      %get3A = arith.index_cast %mul3A_26 : i32 to index
      %get3A_27 = tpu.vector_load %arg6[%get3A] {strides = array<i32>} : memref<32768xf32, #tpu.memory_space<vmem>>, vector<16xf32>,
      %cumsum3A = arith.constant true
      %cumsum3A_28 = vector.broadcast %cumsum3A : i1 to vector<16xi1>
      %cumsum3A_29 = tpu.scan <sum>, %get3A_27 masked %cumsum3A_28 : vector<16xf32>, vector<16xi1> -> vector<16xf32>
      %add3A_30 = vector.broadcast %scan3A_24 : f32 to vector<16xf32>
      %add3A_31 = arith.addf %cumsum3A_29, %add3A_30 : vector<16xf32>
      %mul3A_32 = arith.constant 16 : i32
      %mul3A_33 = arith.muli %scan3A_23, %mul3A_32 : i32
      %swap3A_34 = arith.index_cast %mul3A_33 : i32 to index
      %swap3A_35 = tpu.vector_load %arg6[%swap3A_34] {strides = array<i32>} : memref<32768xf32, #tpu.memory_space<vmem>>, vector<16xf32>,
      tpu.vector_store %arg6[%swap3A_34], %add3A_31 {strides = array<i32>} : memref<32768xf32, #tpu.memory_space<vmem>>, vector<16xf32>,
      %reduce_sum3A = arith.constant true
      %reduce_sum3A_36 = vector.broadcast %reduce_sum3A : i1 to vector<16xi1>
      %reduce_sum3A_37 = tpu.scan <sum>, %get3A_27 masked %reduce_sum3A_36 : vector<16xf32>, vector<16xi1> -> vector<16xf32>
      %reduce_sum3A_38 = vector.extract %reduce_sum3A_37[15] : f32 from vector<16xf32>
      %add3A_39 = arith.addf %scan3A_24, %reduce_sum3A_38 : f32
      scf.yield %add3A_39 : f32
    }
    %scan3A_8 = arith.constant 2048 : i32
    %broadcast_in_dim3A = vector.broadcast %scan3A_7 : f32 to vector<16xf32>
    %swap3A = arith.constant 0 : index
    %swap3A_9 = tpu.vector_load %arg8[%swap3A] {strides = array<i32>} : memref<16xf32, #tpu.memory_space<vmem>>, vector<16xf32>,
    tpu.vector_store %arg8[%swap3A], %broadcast_in_dim3A {strides = array<i32>} : memref<16xf32, #tpu.memory_space<vmem>>, vector<16xf32>,
    %scan3A_10 = arith.constant 0 : i32
    %scan3A_11 = arith.constant 0 : i32
    %scan3A_12 = arith.constant 128 : i32
    %scan3A_13 = arith.addi %scan3A_11, %scan3A_12 : i32
    %scan3A_14 = arith.constant 1 : i32
    %scan3A_15 = scf.for %scan3A_23 = %scan3A_11 to %scan3A_13 step %scan3A_14 iter_args(%scan3A_24 = %scan3A_10) -> (i32)  : i32 {
      %mul3A_25 = arith.constant 256 : i32
      %mul3A_26 = arith.muli %scan3A_23, %mul3A_25 : i32
      %iota3A = tpu.iota {dimensions = array<i32: 0>} : vector<16xi32>
      %mul3A_27 = arith.constant 16 : i32
      %mul3A_28 = vector.broadcast %mul3A_27 : i32 to vector<16xi32>
      %mul3A_29 = arith.muli %iota3A, %mul3A_28 : vector<16xi32>
      %add3A_30 = vector.broadcast %mul3A_26 : i32 to vector<16xi32>
      %add3A_31 = arith.addi %add3A_30, %mul3A_29 : vector<16xi32>
      %add3A_32 = arith.constant 15 : i32
      %add3A_33 = vector.broadcast %add3A_32 : i32 to vector<16xi32>
      %add3A_34 = arith.addi %add3A_31, %add3A_33 : vector<16xi32>
      %gather3A = tpu.vector_load_idx %arg6[%add3A_34] : memref<32768xf32, #tpu.memory_space<vmem>>[vector<16xi32>], vector<16xf32>,
      %mul3A_35 = arith.constant 16 : i32
      %mul3A_36 = arith.muli %scan3A_23, %mul3A_35 : i32
      %swap3A_37 = arith.index_cast %mul3A_36 : i32 to index
      %swap3A_38 = tpu.vector_load %arg7[%swap3A_37] {strides = array<i32>} : memref<2048xf32, #tpu.memory_space<vmem>>, vector<16xf32>,
      tpu.vector_store %arg7[%swap3A_37], %gather3A {strides = array<i32>} : memref<2048xf32, #tpu.memory_space<vmem>>, vector<16xf32>,
      %scan3A_39 = arith.constant 0 : i32
      scf.yield %scan3A_39 : i32
    }
    %scan3A_16 = arith.constant 128 : i32
    %mul3A_17 = arith.constant 32768 : i32
    %mul3A_18 = arith.muli %add3A, %mul3A_17 : i32
    "tpu.region"() ({
      %run_scoped3A = tpu.sem_alloc : memref<!tpu.dma_semaphore, #tpu.memory_space<semaphore_mem>>
      %dma_start3A = tpu.memref_slice %arg3[%mul3A_18] : memref<1048576xf32, #tpu.memory_space<hbm>> -> memref<32768xf32, #tpu.memory_space<hbm>>
      %dma_start3A_23 = tpu.memref_slice %arg3[%mul3A_18] : memref<1048576xf32, #tpu.memory_space<hbm>> -> memref<32768xf32, #tpu.memory_space<hbm>>
      tpu.enqueue_dma source(%arg6 : memref<32768xf32, #tpu.memory_space<vmem>>) target(%dma_start3A_23 : memref<32768xf32, #tpu.memory_space<hbm>>) target_semaphore(%run_scoped3A : memref<!tpu.dma_semaphore, #tpu.memory_space<semaphore_mem>>)
      %dma_wait3A = tpu.memref_slice %arg3[%mul3A_18] : memref<1048576xf32, #tpu.memory_space<hbm>> -> memref<32768xf32, #tpu.memory_space<hbm>>
      %dma_wait3A_24 = tpu.memref_slice %arg3[%mul3A_18] : memref<1048576xf32, #tpu.memory_space<hbm>> -> memref<32768xf32, #tpu.memory_space<hbm>>
      tpu.wait_dma2 semaphore(%run_scoped3A : memref<!tpu.dma_semaphore, #tpu.memory_space<semaphore_mem>>) src(%arg6 : memref<32768xf32, #tpu.memory_space<vmem>>) dst(%dma_wait3A_24 : memref<32768xf32, #tpu.memory_space<hbm>>)
      tpu.yield
    }) : () -> ()
    %mul3A_19 = arith.constant 2048 : i32
    %mul3A_20 = arith.muli %add3A, %mul3A_19 : i32
    "tpu.region"() ({
      %run_scoped3A = tpu.sem_alloc : memref<!tpu.dma_semaphore, #tpu.memory_space<semaphore_mem>>
      %dma_start3A = tpu.memref_slice %arg4[%mul3A_20] : memref<65536xf32, #tpu.memory_space<hbm>> -> memref<2048xf32, #tpu.memory_space<hbm>>
      %dma_start3A_23 = tpu.memref_slice %arg4[%mul3A_20] : memref<65536xf32, #tpu.memory_space<hbm>> -> memref<2048xf32, #tpu.memory_space<hbm>>
      tpu.enqueue_dma source(%arg7 : memref<2048xf32, #tpu.memory_space<vmem>>) target(%dma_start3A_23 : memref<2048xf32, #tpu.memory_space<hbm>>) target_semaphore(%run_scoped3A : memref<!tpu.dma_semaphore, #tpu.memory_space<semaphore_mem>>)
      %dma_wait3A = tpu.memref_slice %arg4[%mul3A_20] : memref<65536xf32, #tpu.memory_space<hbm>> -> memref<2048xf32, #tpu.memory_space<hbm>>
      %dma_wait3A_24 = tpu.memref_slice %arg4[%mul3A_20] : memref<65536xf32, #tpu.memory_space<hbm>> -> memref<2048xf32, #tpu.memory_space<hbm>>
      tpu.wait_dma2 semaphore(%run_scoped3A : memref<!tpu.dma_semaphore, #tpu.memory_space<semaphore_mem>>) src(%arg7 : memref<2048xf32, #tpu.memory_space<vmem>>) dst(%dma_wait3A_24 : memref<2048xf32, #tpu.memory_space<hbm>>)
      tpu.yield
    }) : () -> ()
    %mul3A_21 = arith.constant 16 : i32
    %mul3A_22 = arith.muli %add3A, %mul3A_21 : i32
    "tpu.region"() ({
      %run_scoped3A = tpu.sem_alloc : memref<!tpu.dma_semaphore, #tpu.memory_space<semaphore_mem>>
      %dma_start3A = tpu.memref_slice %arg5[%mul3A_22] : memref<512xf32, #tpu.memory_space<hbm>> -> memref<16xf32, #tpu.memory_space<hbm>>
      %dma_start3A_23 = tpu.memref_slice %arg5[%mul3A_22] : memref<512xf32, #tpu.memory_space<hbm>> -> memref<16xf32, #tpu.memory_space<hbm>>
      tpu.enqueue_dma source(%arg8 : memref<16xf32, #tpu.memory_space<vmem>>) target(%dma_start3A_23 : memref<16xf32, #tpu.memory_space<hbm>>) target_semaphore(%run_scoped3A : memref<!tpu.dma_semaphore, #tpu.memory_space<semaphore_mem>>)
      %dma_wait3A = tpu.memref_slice %arg5[%mul3A_22] : memref<512xf32, #tpu.memory_space<hbm>> -> memref<16xf32, #tpu.memory_space<hbm>>
      %dma_wait3A_24 = tpu.memref_slice %arg5[%mul3A_22] : memref<512xf32, #tpu.memory_space<hbm>> -> memref<16xf32, #tpu.memory_space<hbm>>
      tpu.wait_dma2 semaphore(%run_scoped3A : memref<!tpu.dma_semaphore, #tpu.memory_space<semaphore_mem>>) src(%arg8 : memref<16xf32, #tpu.memory_space<vmem>>) dst(%dma_wait3A_24 : memref<16xf32, #tpu.memory_space<hbm>>)
      tpu.yield
    }) : () -> ()
    return
  }
}

module attributes {stable_mosaic.version = 14 : i64} {
  func.func @_loss_body(%arg0: memref<128x128xf32, #tpu.memory_space<vmem>>, %arg1: memref<128x128xf32, #tpu.memory_space<vmem>>, %arg2: memref<1x1xf32, #tpu.memory_space<vmem>>, %arg3: memref<1x1xf32, #tpu.memory_space<vmem>>) attributes {dimension_semantics = [], scalar_prefetch = 0 : i64, scratch_operands = 0 : i64, tpu.core_type = #tpu.core_type<tc>} {
    %get3A = arith.constant 0 : index
    %get3A_0 = arith.constant 0 : index
    %get3A_1 = vector.load %arg0[%get3A, %get3A_0] : memref<128x128xf32, #tpu.memory_space<vmem>>, vector<128x128xf32>
    %get3A_2 = arith.constant 0 : index
    %get3A_3 = arith.constant 0 : index
    %get3A_4 = vector.load %arg1[%get3A_2, %get3A_3] : memref<128x128xf32, #tpu.memory_space<vmem>>, vector<128x128xf32>
    %get3A_5 = arith.constant 0 : index
    %get3A_6 = arith.constant 0 : index
    %get3A_7 = vector.load %arg2[%get3A_5, %get3A_6] : memref<1x1xf32, #tpu.memory_space<vmem>>, vector<1x1xf32>
    %get3A_8 = vector.extract %get3A_7[0, 0] : f32 from vector<1x1xf32>
    %add3A = vector.broadcast %get3A_8 : f32 to vector<128x128xf32>
    %add3A_9 = arith.addf %get3A_4, %add3A : vector<128x128xf32>
    %jit3A = arith.constant 0 : i32
    %convert_element_type3A = arith.sitofp %jit3A : i32 to f32
    %max3A = vector.broadcast %convert_element_type3A : f32 to vector<128x128xf32>
    %max3A_10 = arith.maximumf %max3A, %get3A_1 : vector<128x128xf32>
    %sub3A = arith.subf %max3A_10, %get3A_1 : vector<128x128xf32>
    %abs3A = math.absf %get3A_1 : vector<128x128xf32>
    %neg3A = arith.constant 0.000000e+00 : f32
    %neg3A_11 = vector.broadcast %neg3A : f32 to vector<128x128xf32>
    %neg3A_12 = arith.subf %neg3A_11, %abs3A : vector<128x128xf32>
    %exp3A = math.exp %neg3A_12 : vector<128x128xf32>
    %log1p3A = math.log1p %exp3A : vector<128x128xf32>
    %add3A_13 = arith.addf %sub3A, %log1p3A : vector<128x128xf32>
    %jit3A_14 = arith.constant 0 : i32
    %convert_element_type3A_15 = arith.sitofp %jit3A_14 : i32 to f32
    %max3A_16 = vector.broadcast %convert_element_type3A_15 : f32 to vector<128x128xf32>
    %max3A_17 = arith.maximumf %max3A_16, %add3A_9 : vector<128x128xf32>
    %abs3A_18 = math.absf %add3A_9 : vector<128x128xf32>
    %neg3A_19 = arith.constant 0.000000e+00 : f32
    %neg3A_20 = vector.broadcast %neg3A_19 : f32 to vector<128x128xf32>
    %neg3A_21 = arith.subf %neg3A_20, %abs3A_18 : vector<128x128xf32>
    %exp3A_22 = math.exp %neg3A_21 : vector<128x128xf32>
    %log1p3A_23 = math.log1p %exp3A_22 : vector<128x128xf32>
    %add3A_24 = arith.addf %max3A_17, %log1p3A_23 : vector<128x128xf32>
    %reduce_sum3A = vector.shape_cast %add3A_13 : vector<128x128xf32> to vector<1x128x128xf32>
    %reduce_sum3A_25 = arith.constant dense<0.000000e+00> : vector<1xf32>
    %reduce_sum3A_26 = vector.multi_reduction <add>, %reduce_sum3A, %reduce_sum3A_25 [1, 2] : vector<1x128x128xf32> to vector<1xf32>
    %reduce_sum3A_27 = vector.shape_cast %reduce_sum3A_26 : vector<1xf32> to vector<1x1x1xf32>
    %reduce_sum3A_28 = vector.extract %reduce_sum3A_27[0, 0, 0] : f32 from vector<1x1x1xf32>
    %reduce_sum3A_29 = vector.shape_cast %add3A_24 : vector<128x128xf32> to vector<1x128x128xf32>
    %reduce_sum3A_30 = arith.constant dense<0.000000e+00> : vector<1xf32>
    %reduce_sum3A_31 = vector.multi_reduction <add>, %reduce_sum3A_29, %reduce_sum3A_30 [1, 2] : vector<1x128x128xf32> to vector<1xf32>
    %reduce_sum3A_32 = vector.shape_cast %reduce_sum3A_31 : vector<1xf32> to vector<1x1x1xf32>
    %reduce_sum3A_33 = vector.extract %reduce_sum3A_32[0, 0, 0] : f32 from vector<1x1x1xf32>
    %add3A_34 = arith.addf %reduce_sum3A_28, %reduce_sum3A_33 : f32
    %div3A = arith.constant 3.276800e+04 : f32
    %div3A_35 = arith.divf %add3A_34, %div3A : f32
    %reshape3A = vector.broadcast %div3A_35 : f32 to vector<1x1xf32>
    %swap3A = arith.constant 0 : index
    %swap3A_36 = arith.constant 0 : index
    %swap3A_37 = vector.load %arg3[%swap3A, %swap3A_36] : memref<1x1xf32, #tpu.memory_space<vmem>>, vector<1x1xf32>
    tpu.vector_store %arg3[%swap3A, %swap3A_36], %reshape3A {strides = array<i32>} : memref<1x1xf32, #tpu.memory_space<vmem>>, vector<1x1xf32>,
    return
  }
}

module attributes {stable_mosaic.version = 14 : i64} {
  func.func @_matvec_body(%arg0: i32, %arg1: memref<16x16384xf32, #tpu.memory_space<vmem>>, %arg2: memref<16x1xf32, #tpu.memory_space<vmem>>, %arg3: memref<16384xf32, #tpu.memory_space<vmem>>) attributes {dimension_semantics = [#tpu.dimension_semantics<arbitrary>], iteration_bounds = array<i64: 62>, scalar_prefetch = 0 : i64, scratch_operands = 0 : i64, tpu.core_type = #tpu.core_type<tc>, window_params = [{transform_indices = @transform_0, window_bounds = array<i64: 16, 16384>}, {pipeline_mode = #tpu.pipeline_mode<synchronous>, transform_indices = @transform_1, window_bounds = array<i64: 16, 1>}, {transform_indices = @transform_2, window_bounds = array<i64: 16384>}]} {
    %get3A = arith.constant 0 : index
    %get3A_0 = arith.constant 0 : index
    %get3A_1 = vector.load %arg1[%get3A, %get3A_0] : memref<16x16384xf32, #tpu.memory_space<vmem>>, vector<16x16384xf32>
    %get3A_2 = arith.constant 0 : index
    %get3A_3 = arith.constant 0 : index
    %get3A_4 = vector.load %arg2[%get3A_2, %get3A_3] : memref<16x1xf32, #tpu.memory_space<vmem>>, vector<16x1xf32>
    %mul3A = vector.broadcast %get3A_4 : vector<16x1xf32> to vector<16x16384xf32>
    %mul3A_5 = arith.mulf %get3A_1, %mul3A : vector<16x16384xf32>
    %reduce_sum3A = arith.constant dense<0.000000e+00> : vector<16384xf32>
    %reduce_sum3A_6 = vector.multi_reduction <add>, %mul3A_5, %reduce_sum3A [0] : vector<16x16384xf32> to vector<16384xf32>
    %swap3A = arith.constant 0 : index
    %swap3A_7 = vector.load %arg3[%swap3A] : memref<16384xf32, #tpu.memory_space<vmem>>, vector<16384xf32>
    tpu.vector_store %arg3[%swap3A], %reduce_sum3A_6 {strides = array<i32>} : memref<16384xf32, #tpu.memory_space<vmem>>, vector<16384xf32>,
    return
  }
  func.func @transform_0(%arg0: i32) -> (i32, i32) {
    %c0_i32 = arith.constant 0 : i32
    %c0_i32_0 = arith.constant 0 : i32
    return %c0_i32, %arg0 : i32, i32
  }
  func.func @transform_1(%arg0: i32) -> (i32, i32) {
    %c0_i32 = arith.constant 0 : i32
    %c0_i32_0 = arith.constant 0 : i32
    %c0_i32_1 = arith.constant 0 : i32
    return %c0_i32, %c0_i32_0 : i32, i32
  }
  func.func @transform_2(%arg0: i32) -> i32 {
    %c0_i32 = arith.constant 0 : i32
    return %arg0 : i32
  }
}

</mosaic_0001>

<sc_bundles>
// kernel: kernel.6.cloned.1.call-start
scs
__scs_entry_jumppad:
0x0: {  	(pc) =	sbr.rel $0x88, $3  }
0x1: {  	(tag) =	ssettag $0x0;
	lr =	simm.s32 $0x1  }
0x2: {  	[smem:$0x3F9C] =	sst lr;
	_ =	strace $0xD0000000  }
0x3: {  	_ = 	snop  }
0x4: {  	_ = 	snop  }
0x5: {  	_ = 	snop  }
0x6: {  	_ = 	snop  }
0x7: {  	_ = 	snop  }
__scs_overlays_trampoline_lowered:
0x8: {  	[smem:$0x3FAB] =	sst s0  }
0x9: {  	[smem:$0x3FAC] =	sst s1  }
0xa: {  	[smem:$0x3FAD] =	sst s2  }
0xb: {  	[smem:$0x3FAE] =	sst s3  }
0xc: {  	[smem:$0x3FAF] =	sst s4  }
0xd: {  	[smem:$0x3FB0] =	sst s5  }
0xe: {  	[smem:$0x3FB1] =	sst s6  }
0xf: {  	[smem:$0x3FB2] =	sst s7  }
0x10: {  	[smem:$0x3FB3] =	sst s8  }
0x11: {  	[smem:$0x3FB4] =	sst s9;
	s0 =	simm.s32 @!p0 $0x0  }
0x12: {  	s1 =	sld [smem:$0x3F9A];
	s0 =	simm.s32 @p0 $0x1  }
0x13: {  	[smem:$0x3FB5] =	sst s0;
	s0 =	simm.s32 @!p1 $0x0  }
0x14: {  	s2 =	sld [smem:$0x3F99];
	s0 =	simm.s32 @p1 $0x1  }
0x15: {  	[smem:$0x3FB6] =	sst s0;
	s0 =	simm.s32 @!p2 $0x0  }
0x16: {  	s3 =	sld [smem:$0x3FDB];
	s0 =	simm.s32 @p2 $0x1  }
0x17: {  	s4 =	simm.s32 $0x1BF5;
	[smem:$0x3FB8] =	sst s0  }
0x18: {  	s0 =	sld [smem:$0x3F9B];
	_ =	swait.ge [sflag:s4], $0x0  }
0x19: {  	s7 =	sld [smem:$0x3F9C]  }
0x1a: {  	s8 =	sadd.s32 $0xFFFFE003, lr  }
0x1b: {  	s9 =	sadd.s32 $0xFFFFFEF7, lr;
	s5 =	simm.s32 $0xFFFFFFFF;
	p2 =	slt.u32 s8, $0xFFFFF086  }
0x1c: {  	p1 =	slt.u32 s9, $0xF7A;
	s5 =	simm.s32 @!p2 $0x0  }
0x1d: {  	s5 =	simm.s32 @p1 $0x1;
	p0 =	seq.s32 s7, s2  }
0x1e: {  	s7 =	smul.u32 @!p0 $0xF7A, s2;
	p2 =	seq.s32 @!p0 s5, $0x0  }
0x1f: {  	s9 =	smul.u32 $0xF7A, s1;
	s8 =	simm.s32 @!p0 $0x1BF5;
	p2 =	por !p2, p0  }
0x20: {  	[sflag:s8] =	ssyncset.s32 @!p0 $0xFFFFF086;
	s6 =	sadd.s32 @!p0 s3, s7;
	s7 =	simm.s32 @!p0 $0x108  }
0x21: {  	s3 =	sadd.s32 s3, s9;
	s6 =	sadd.s32 @!p0 $0x88, s6;
	s7 =	simm.s32 @p2 $0x1082  }
0x22: {  	[simem:s7], [sflag:s8] =	dma.local @!p0 [hbm:s6], $0xF7A  }
0x23: {  	s9 =	sor.u32 $0xD0000000, s2;
	s6 =	simm.s32 $0x108;
	_ =	swait.ge @!p0 [sflag:s8], $0x0  }
0x24: {  	s3 =	sadd.s32 $0x88, s3;
	s6 =	simm.s32 @!p1 $0x1082;
	[sflag:s4] =	ssyncset.s32 $0xFFFFF086  }
0x25: {  	[simem:s6], [sflag:s4] =	dma.local [hbm:s3], $0xF7A  }
0x26: {  	[smem:$0x3F9C] =	sst s1;
	(tag) =	ssettag s2;
	_ =	strace s9  }
0x27: {  	s1 =	sld [smem:$0x3FAC]  }
0x28: {  	s2 =	sld [smem:$0x3FAD]  }
0x29: {  	s4 =	sld [smem:$0x3FAF]  }
0x2a: {  	p0 =	seq.s32 s5, $0x0;
	s5 =	sld [smem:$0x3FB0]  }
0x2b: {  	s6 =	sld [smem:$0x3FB1]  }
0x2c: {  	s7 =	sld [smem:$0x3FB2]  }
0x2d: {  	s3 =	simm.s32 $0x108;
	s8 =	sld [smem:$0x3FB3]  }
0x2e: {  	s3 =	simm.s32 @!p0 $0x1082;
	s9 =	sld [smem:$0x3FB4]  }
0x2f: {  	lr =	sadd.s32 s0, s3;
	s0 =	sld [smem:$0x3FAB]  }
0x30: {  	s3 =	sld [smem:$0x3FAE]  }
0x31: {  	[smem:$0x3FB7] =	sst s10  }
0x32: {  	s10 =	sld [smem:$0x3FB5];
	_ =	sdelay $0x3  }
0x33: {  	p0 =	seq.s32 s10, $0x1;
	s10 =	sld [smem:$0x3FB7];
	_ =	sdelay $0x3  }
0x34: {  	[smem:$0x3FB7] =	sst s10  }
0x35: {  	s10 =	sld [smem:$0x3FB6];
	_ =	sdelay $0x3  }
0x36: {  	p1 =	seq.s32 s10, $0x1;
	s10 =	sld [smem:$0x3FB7];
	_ =	sdelay $0x3  }
0x37: {  	[smem:$0x3FB7] =	sst s10  }
0x38: {  	s10 =	sld [smem:$0x3FB8]  }
0x39: {  	_ = 	snop;
	(pc) =	sbr.ind lr, $3  }
0x3a: {  	_ = 	snop  }
0x3b: {  	_ = 	snop  }
0x3c: {  	p2 =	seq.s32 s10, $0x1;
	s10 =	sld [smem:$0x3FB7]  }
0x3d: {  	_ =	shalt  }
0x3e: {  	_ =	shalt  }
0x3f: {  	_ =	shalt  }
0x40: {  	_ =	shalt  }
0x41: {  	_ =	shalt  }
0x42: {  	_ =	shalt  }
0x43: {  	_ =	shalt  }
0x44: {  	_ =	shalt  }
0x45: {  	_ =	shalt  }
0x46: {  	_ =	shalt  }
0x47: {  	_ =	shalt  }
0x48: {  	_ =	shalt  }
0x49: {  	_ =	shalt  }
0x4a: {  	_ =	shalt  }
0x4b: {  	_ =	shalt  }
0x4c: {  	_ =	shalt  }
0x4d: {  	_ =	shalt  }
0x4e: {  	_ =	shalt  }
0x4f: {  	_ =	shalt  }
0x50: {  	_ =	shalt  }
0x51: {  	_ =	shalt  }
0x52: {  	_ =	shalt  }
0x53: {  	_ =	shalt  }
0x54: {  	_ =	shalt  }
0x55: {  	_ =	shalt  }
0x56: {  	_ =	shalt  }
0x57: {  	_ =	shalt  }
0x58: {  	_ =	shalt  }
0x59: {  	_ =	shalt  }
0x5a: {  	_ =	shalt  }
0x5b: {  	_ =	shalt  }
0x5c: {  	_ =	shalt  }
0x5d: {  	_ =	shalt  }
0x5e: {  	_ =	shalt  }
0x5f: {  	_ =	shalt  }
0x60: {  	_ =	shalt  }
0x61: {  	_ =	shalt  }
0x62: {  	_ =	shalt  }
0x63: {  	_ =	shalt  }
0x64: {  	_ =	shalt  }
0x65: {  	_ =	shalt  }
0x66: {  	_ =	shalt  }
0x67: {  	_ =	shalt  }
0x68: {  	_ =	shalt  }
0x69: {  	_ =	shalt  }
0x6a: {  	_ =	shalt  }
0x6b: {  	_ =	shalt  }
0x6c: {  	_ =	shalt  }
0x6d: {  	_ =	shalt  }
0x6e: {  	_ =	shalt  }
0x6f: {  	_ =	shalt  }
0x70: {  	_ =	shalt  }
0x71: {  	_ =	shalt  }
0x72: {  	_ =	shalt  }
0x73: {  	_ =	shalt  }
0x74: {  	_ =	shalt  }
0x75: {  	_ =	shalt  }
0x76: {  	_ =	shalt  }
0x77: {  	_ =	shalt  }
0x78: {  	_ =	shalt  }
0x79: {  	_ =	shalt  }
0x7a: {  	_ =	shalt  }
0x7b: {  	_ =	shalt  }
0x7c: {  	_ =	shalt  }
0x7d: {  	_ =	shalt  }
0x7e: {  	_ =	shalt  }
0x7f: {  	_ =	shalt  }
0x80: {  	_ =	shalt  }
0x81: {  	_ =	shalt  }
0x82: {  	_ =	shalt  }
0x83: {  	_ =	shalt  }
0x84: {  	_ =	shalt  }
0x85: {  	_ =	shalt  }
0x86: {  	_ =	shalt  }
0x87: {  	_ =	shalt  }
.Lfunc_end0:
.L_simem_size_0:
called_computation_lowered:
.L_overlay_start_0:
0x88: {  	s2 =	sld [smem:$0x3FD9]  }
0x89: {  	s3 =	sld [smem:$0x3FFE];
	_ =	sdelay $0x1  }
0x8a: {  	s1 =	srdreg.scid  }
0x8b: {  	s0 =	sand.u32 $0x1, s1  }
0x8c: {  	s16 =	sshll.u32 s0, $0xA;
	s2 =	sadd.s32 s3, s2  }
0x8d: {  	s2 =	sadd.s32 s2, s16  }
0x8e: {  	[smem:$0x3FC3] =	sst s2  }
0x8f: {  	_ = 	snop  }
0x90: {  	(tm) =	ssettm $0x1  }
0x91: {  	s17 =	sld [smem:$0x3FFB];
	_ =	sdelay $0x3  }
0x92: {  	_ =	strace s17  }
0x93: {  	s2 =	sld [smem:$0x3FFC];
	_ =	sdelay $0x3  }
0x94: {  	_ =	strace s2  }
0x95: {  	s2 =	sld [smem:$0x3FFD];
	_ =	sdelay $0x3  }
0x96: {  	_ =	strace s2  }
0x97: {  	_ =	strace $0x8FFFFFFF  }
0x98: {  	s18 =	sld [smem:$0x3FDB];
	_ =	sdelay $0x1  }
0x99: {  	s19 =	simm.s32 $_scs_section_size  }
0x9a: {  	s4 =	simm.s32 $_size__tile_overlayer_lowered;
	s5 =	simm.s32 $_tile_overlayer_lowered  }
0x9b: {  	s22 =	simm.s32 $0x1BFF;
	s21 =	sshll.u32 s5, $0x1;
	s2 =	sadd.s32 s19, s18  }
0x9c: {  	s6 =	simm.s32 $0x0;
	s20 =	sshll.u32 s4, $0x1;
	s4 =	sadd.s32 s21, s2  }
0x9d: {  	[timem:s6], [sflag:s22] =	dma.local [hbm:s4], s20  }
0x9e: {  	_ =	swait.ge [sflag:s22], s20  }
0x9f: {  	s3 =	ssub.s32 $0x0, s20;
	[sflag:s22] =	ssyncset.done $0x0  }
0xa0: {  	[sflag:s22] =	ssyncadd.s32 s3;
	_ =	sdelay $0x1  }
0xa1: {  	s23 =	simm.s32 $0x1B8B  }
0xa2: {  	_ =	swait.ge [sflag:s23], $0x1  }
0xa3: {  	[sflag:s23] =	ssyncset.done $0x0  }
0xa4: {  	s25 =	simm.s32 $0x1B8E;
	s24 =	sld [smem:$0x3FFE];
	[sflag:s23] =	ssyncadd.s32 $0xFFFFFFFF  }
0xa5: {  	s26 =	simm.s32 $execute0_lowered;
	[smem:$0x3FD2] =	sst s25  }
0xa6: {  	s4 =	sshll.u32 s26, $0x1;
	_ =	strace $0x80000046;
	[dreg:$0x1] =	wrdreg $0xFFFFFFFF  }
0xa7: {  	s28 =	simm.s32 $_size_execute0_lowered;
	s2 =	sadd.s32 s2, s4;
	[dreg:$0x0] =	wrdreg $0x0  }
0xa8: {  	s4 =	sshll.u32 s28, $0x1;
	[dreg:$0x2] =	wrdreg s2  }
0xa9: {  	[dreg:$0x3] =	wrdreg s4  }
0xaa: {  	[dreg:$0x4] =	wrdreg $0xC0  }
0xab: {  	_ =	task [dreg:s6], $0x5FFFF  }
0xac: {  	[dreg:$0x1] =	wrdreg $0xFFFFFFFF  }
0xad: {  	[dreg:$0x0] =	wrdreg $0x60  }
0xae: {  	[dreg:$0x2] =	wrdreg s24  }
0xaf: {  	[dreg:$0x3] =	wrdreg $0x9  }
0xb0: {  	_ =	task.clear_ibuf [dreg:s6], $0x4FFFF;
	_ =	strace $0x90000046  }
0xb1: {  	s29 =	simm.s32 $0x9;
	_ =	strace $0x80000048  }
0xb2: {  	_ =	swait.ge [sflag:s29], $0x1  }
0xb3: {  	[sflag:s29] =	ssyncadd.s32 $0xFFFFFFFF  }
0xb4: {  	_ =	strace $0x90000048  }
0xb5: {  	_ =	sfence  }
0xb6: {  	s30 =	sld [smem:$0x0];
	_ =	sdelay $0x2  }
0xb7: {  	s31 =	sshll.u32 s1, $0xD;
	s1 =	sshrl.u32 s1, $0x2  }
0xb8: {  	s3 =	sand.u32 $0x4000, s31;
	s1 =	sadd.s32 s1, s30  }
0xb9: {  	s0 =	sor.u32 s3, s0;
	s1 =	sshll.u32 s1, $0x11  }
0xba: {  	s0 =	sor.u32 s1, s0  }
0xbb: {  	s0 =	sadd.s32 $0x8F2B, s0  }
0xbc: {  	[sflag:s0] =	ssyncadd.remote.s32 $0x1  }
0xbd: {  	_ =	sfence.sel $0xFFFF  }
0xbe: {  	[dreg:$0x0] =	wrdreg $0xFFFFFFFF;
	(pc) =	sbr.abs _section_cstart, $3  }
0xbf: {  	[dreg:$0x1] =	wrdreg $0xFFFFFFFF  }
0xc0: {  	_ =	task.clear_ibuf [dreg:s6], $0x2FFFF;
	_ =	strace $0x9FFFFFFF  }
0xc1: {  	(tm) =	ssettm $0x7FFFFFFF  }
tec
execute0_lowered:
.L_overlay_start_1:
0x0: {  	(tag) =	ssettag $0x1  }
0x1: {  	s0 =	srdreg.scid  }
0x2: {  	s4 =	rddreg [dreg:$0x0];
	s1 =	stileid.u32;
	s2 =	simm.s32 $0x0  }
0x3: {  	s10 =	simm.s32 $0x8800;
	s3 =	sand.u32 $0x1, s0;
	s0 =	rddreg [dreg:$0x1]  }
0x4: {  	s11 =	simm.s32 $0x0;
	[smem:$0x7FF] =	sst s2;
	s5 =	sshll.u32 s3, $0x4  }
0x5: {  	_ =	strace $0x80000047;
	s3 =	ssub.s32 $0x2, s3;
	s5 =	sor.u32 s1, s5  }
0x6: {  	s8 =	sshrl.u32 s3, $0x1;
	s6 =	sshll.u32 s5, $0xC;
	s7 =	sshll.u32 s5, $0x8  }
0x7: {  	v0 =	vlaneseq.u32;
	s5 =	sshll.u32 s5, $0x1;
	s8 =	ssub.s32 s3, s8;
	s6 =	sadd.s32 s6, s4  }
0x8: {  	v0 =	vmul.u32 $0x10, v0;
	s7 =	sadd.s32 s7, s4;
	s9 =	sadd.s32 s5, s4;
	s3 =	sadd.s32 $0x1400, s6  }
0x9: {  	s4 =	sadd.s32 $0x21400, s6;
	s5 =	sadd.s32 $0x41400, s7;
	s6 =	sadd.s32 $0x43400, s9  }
0xa: {  	v0 =	vor.u32 $0xF, v0;
	s7 =	smax.u32 s8, $0x1;
	s8 =	simm.s32 $0x1;
	s9 =	simm.s32 $0x8000  }
.LBB2_1:
0xb: {  	[tilespmem:s2], [sflag:$0x1] =	stream.linear.gather [hbm4b:s3+s2], $0x8000, $0x38;
	[tilespmem:$0x8810] =	vst v63  }
0xc: {  	_ =	swait.ge [sflag:s8], $0x8000  }
0xd: {  	[sflag:s8] =	ssyncset.done $0x0  }
0xe: {  	s15 =	simm.s32 $0x0;
	[sflag:s8] =	ssyncadd.s32 $0xFFFF8000  }
0xf: {  	v1 =	vld [tilespmem:s15+$0x0];
	_ =	sdelay $0x4  }
0x10: {  	(xrf2) =	vadd.scan.msk.f32 $0xffff, v1;
	_ =	sdelay $0x9  }
0x11: {  	s13 =	simm.f32 $0.0e+00;
	v1, _, _ =	vpop (xrf2)  }
0x12: {  	v2 =	vadd.f32 s13, v1;
	(v2sf) =	vpush v1, $0xF;
	_ =	sdelay $0x1  }
0x13: {  	s12 =	simm.s32 $0x10;
	s14 =	simm.s32 $0x80;
	[tilespmem:s15+$0x0] =	vst v2  }
.LBB2_2:
0x14: {  	p0 =	sne.s32 s14, $0x1FFC0;
	v1 =	vld [tilespmem:s12+$0x0];
	_ =	sdelay $0x4  }
0x15: {  	(xrf2) =	vadd.scan.msk.f32 $0xffff, v1;
	_ =	sdelay $0x6  }
0x16: {  	s15 =	spop (v2sf)  }
0x17: {  	s13 =	sadd.f32 s15, s13  }
.Ltmp0:
0x18: {  	(pc) =	sbr.rel @p0 .LBB2_2-.Ltmp0, $3  }
0x19: {  	v1, _, _ =	vpop (xrf2)  }
0x1a: {  	v2 =	vadd.f32 s13, v1;
	(v2sf) =	vpush v1, $0xF;
	_ =	sdelay $0x1  }
0x1b: {  	[tilespmem:s12+$0x0] =	vst v2;
	s12 =	sshra.s32 s14, $0x2;
	s14 =	sadd.s32 $0x40, s14  }
0x1c: {  	v1 =	vld [tilespmem:s12+$0x0];
	_ =	sdelay $0x4  }
0x1d: {  	(xrf2) =	vadd.scan.msk.f32 $0xffff, v1;
	_ =	sdelay $0x9  }
0x1e: {  	v1, _, _ =	vpop (xrf2)  }
0x1f: {  	(v2sf) =	vpush v1, $0xF;
	_ =	sdelay $0xc  }
0x20: {  	s14 =	spop (v2sf)  }
0x21: {  	s28 =	simm.s32 $0x0;
	s13 =	sadd.f32 s14, s13  }
0x22: {  	v2 =	vor.u32 s28, v0;
	s29 =	spop (v2sf)  }
0x23: {  	v1 =	vadd.f32 s13, v1;
	s13 =	sadd.f32 s29, s13;
	_ =	sdelay $0x1  }
0x24: {  	[tilespmem:s12+$0x0] =	vst v1;
	v1 =	vmov s13  }
0x25: {  	[tilespmem:$0x8800] =	vst v1  }
0x26: {  	s30 =	simm.s32 $0x100;
	v1 =	vld.idx.msk [tilespmem:v2+s2+$0x0], $0xffff  }
0x27: {  	v2 =	vor.u32 s30, v0;
	_ =	sdelay $0x2  }
0x28: {  	s12 =	simm.s32 $0x8000  }
0x29: {  	[tilespmem:s12+$0x0] =	vst v1  }
0x2a: {  	s31 =	simm.s32 $0x200;
	v1 =	vld.idx.msk [tilespmem:v2+s2+$0x0], $0xffff  }
0x2b: {  	s13 =	simm.s32 $0x300;
	v2 =	vor.u32 s31, v0  }
.LBB2_4:
0x2c: {  	p0 =	sne.s32 s13, $0x7F00;
	_ =	sdelay $0x1  }
.Ltmp1:
0x2d: {  	s12 =	sadd.s32 $0x10, s12;
	(pc) =	sbr.rel @p0 .LBB2_4-.Ltmp1, $3  }
0x2e: {  	[tilespmem:s12+$0x0] =	vst v1  }
0x2f: {  	v1 =	vld.idx.msk [tilespmem:v2+s2+$0x0], $0xffff;
	_ =	sdelay $0x1  }
0x30: {  	v2 =	vor.u32 s13, v0;
	s13 =	sadd.s32 $0x100, s13  }
0x31: {  	_ =	sdelay $0x1  }
0x32: {  	s12 =	sadd.s32 $0x10, s12  }
0x33: {  	[tilespmem:s12+$0x0] =	vst v1  }
0x34: {  	v1 =	vld.idx.msk [tilespmem:v2+s2+$0x0], $0xffff;
	_ =	sdelay $0x3  }
0x35: {  	s12 =	sadd.s32 $0x10, s12  }
0x36: {  	[tilespmem:s12+$0x0] =	vst v1  }
0x37: {  	[hbm4b:s4+s2] =	stream.linear.scatter [tilespmem:s2], [sflag:$0x1], $0x8000, $0x38;
	[tilespmem:$0x8810] =	vst v63  }
0x38: {  	_ =	swait.ge [sflag:s8], $0x8000  }
0x39: {  	[sflag:s8] =	ssyncset.done $0x0  }
0x3a: {  	[sflag:s8] =	ssyncadd.s32 $0xFFFF8000  }
0x3b: {  	[hbm4b:s5+s2] =	stream.linear.scatter [tilespmem:s9], [sflag:$0x1], $0x800, $0x38;
	[tilespmem:$0x8810] =	vst v63  }
0x3c: {  	s11 =	sadd.s32 $0x1, s11;
	_ =	swait.ge [sflag:s8], $0x800  }
0x3d: {  	p0 =	sne.s32 s11, s7;
	[sflag:s8] =	ssyncset.done $0x0  }
.Ltmp2:
0x3e: {  	[sflag:s8] =	ssyncadd.s32 $0xFFFFF800;
	(pc) =	sbr.rel @p0 .LBB2_1-.Ltmp2, $4  }
0x3f: {  	[hbm4b:s6+s2] =	stream.linear.scatter [tilespmem:s10], [sflag:$0x1], $0x10, $0x38;
	[tilespmem:$0x8810] =	vst v63  }
0x40: {  	_ =	swait.ge [sflag:s8], $0x10  }
0x41: {  	[sflag:s8] =	ssyncset.done $0x0  }
0x42: {  	[sflag:s8] =	ssyncadd.s32 $0xFFFFFFF0  }
0x43: {  	_ =	sfence.sel $0x180000  }
0x44: {  	[bflag:$0x0] =	sbarrier.arrive $0xFFFF  }
0x45: {  	p0 =	sne.s32 s1, $0x0;
	_ =	strace $0x90000047  }
0x46: {  	s0 =	sadd.s32 @!p0 $0x100000, s0;
	[bflag:$0x2] =	sbarrier.arrive $0xFFFF  }
0x47: {  	[sflag:s0] =	ssyncadd.tile.s32 @!p0 $0x1;
	_ =	shalt  }
.Lfunc_end2:
_tile_overlayer_lowered:
.L_overlay_start_2:
0x48: {  	(tag) =	ssettag $0x2  }
0x49: {  	s0 =	rddreg [dreg:$0x0];
	s2 =	stileid.u32  }
0x4a: {  	s1 =	rddreg [dreg:$0x1];
	p0 =	sne.s32 s2, $0x0  }
0x4b: {  	s3 =	rddreg [dreg:$0x2];
	[bflag:$0x3] =	sbarrier.arrive $0xFFFF;
	s2 =	simm.s32 @!p0 $0x1C01  }
0x4c: {  	[timem:s3], [sflag:s2] =	dma.local @!p0 [hbm:s0], s1  }
0x4d: {  	s0 =	simm.s32 @!p0 $0x1  }
0x4e: {  	_ =	swait.ge @!p0 [sflag:s0], s1  }
0x4f: {  	s1 =	ssub.s32 @!p0 $0x0, s1;
	[sflag:s0] =	ssyncset.done @!p0 $0x0  }
0x50: {  	[sflag:s0] =	ssyncadd.s32 @!p0 s1  }
0x51: {  	[bflag:$0x3] =	sbarrier.arrive $0xFFFF  }
0x52: {  	_ =	shalt  }

// kernel: kernel.9.cloned.1.call-start
scs
__scs_entry_jumppad:
0x0: {  	(pc) =	sbr.rel $0x88, $3  }
0x1: {  	(tag) =	ssettag $0x0;
	lr =	simm.s32 $0x1  }
0x2: {  	[smem:$0x3F9C] =	sst lr;
	_ =	strace $0xD0000000  }
0x3: {  	_ = 	snop  }
0x4: {  	_ = 	snop  }
0x5: {  	_ = 	snop  }
0x6: {  	_ = 	snop  }
0x7: {  	_ = 	snop  }
__scs_overlays_trampoline_lowered:
0x8: {  	[smem:$0x3FAB] =	sst s0  }
0x9: {  	[smem:$0x3FAC] =	sst s1  }
0xa: {  	[smem:$0x3FAD] =	sst s2  }
0xb: {  	[smem:$0x3FAE] =	sst s3  }
0xc: {  	[smem:$0x3FAF] =	sst s4  }
0xd: {  	[smem:$0x3FB0] =	sst s5  }
0xe: {  	[smem:$0x3FB1] =	sst s6  }
0xf: {  	[smem:$0x3FB2] =	sst s7  }
0x10: {  	[smem:$0x3FB3] =	sst s8  }
0x11: {  	[smem:$0x3FB4] =	sst s9;
	s0 =	simm.s32 @!p0 $0x0  }
0x12: {  	s1 =	sld [smem:$0x3F9A];
	s0 =	simm.s32 @p0 $0x1  }
0x13: {  	[smem:$0x3FB5] =	sst s0;
	s0 =	simm.s32 @!p1 $0x0  }
0x14: {  	s2 =	sld [smem:$0x3F99];
	s0 =	simm.s32 @p1 $0x1  }
0x15: {  	[smem:$0x3FB6] =	sst s0;
	s0 =	simm.s32 @!p2 $0x0  }
0x16: {  	s3 =	sld [smem:$0x3FDB];
	s0 =	simm.s32 @p2 $0x1  }
0x17: {  	s4 =	simm.s32 $0x1BF5;
	[smem:$0x3FB8] =	sst s0  }
0x18: {  	s0 =	sld [smem:$0x3F9B];
	_ =	swait.ge [sflag:s4], $0x0  }
0x19: {  	s7 =	sld [smem:$0x3F9C]  }
0x1a: {  	s8 =	sadd.s32 $0xFFFFE003, lr  }
0x1b: {  	s9 =	sadd.s32 $0xFFFFFEF7, lr;
	s5 =	simm.s32 $0xFFFFFFFF;
	p2 =	slt.u32 s8, $0xFFFFF086  }
0x1c: {  	p1 =	slt.u32 s9, $0xF7A;
	s5 =	simm.s32 @!p2 $0x0  }
0x1d: {  	s5 =	simm.s32 @p1 $0x1;
	p0 =	seq.s32 s7, s2  }
0x1e: {  	s7 =	smul.u32 @!p0 $0xF7A, s2;
	p2 =	seq.s32 @!p0 s5, $0x0  }
0x1f: {  	s9 =	smul.u32 $0xF7A, s1;
	s8 =	simm.s32 @!p0 $0x1BF5;
	p2 =	por !p2, p0  }
0x20: {  	[sflag:s8] =	ssyncset.s32 @!p0 $0xFFFFF086;
	s6 =	sadd.s32 @!p0 s3, s7;
	s7 =	simm.s32 @!p0 $0x108  }
0x21: {  	s3 =	sadd.s32 s3, s9;
	s6 =	sadd.s32 @!p0 $0x88, s6;
	s7 =	simm.s32 @p2 $0x1082  }
0x22: {  	[simem:s7], [sflag:s8] =	dma.local @!p0 [hbm:s6], $0xF7A  }
0x23: {  	s9 =	sor.u32 $0xD0000000, s2;
	s6 =	simm.s32 $0x108;
	_ =	swait.ge @!p0 [sflag:s8], $0x0  }
0x24: {  	s3 =	sadd.s32 $0x88, s3;
	s6 =	simm.s32 @!p1 $0x1082;
	[sflag:s4] =	ssyncset.s32 $0xFFFFF086  }
0x25: {  	[simem:s6], [sflag:s4] =	dma.local [hbm:s3], $0xF7A  }
0x26: {  	[smem:$0x3F9C] =	sst s1;
	(tag) =	ssettag s2;
	_ =	strace s9  }
0x27: {  	s1 =	sld [smem:$0x3FAC]  }
0x28: {  	s2 =	sld [smem:$0x3FAD]  }
0x29: {  	s4 =	sld [smem:$0x3FAF]  }
0x2a: {  	p0 =	seq.s32 s5, $0x0;
	s5 =	sld [smem:$0x3FB0]  }
0x2b: {  	s6 =	sld [smem:$0x3FB1]  }
0x2c: {  	s7 =	sld [smem:$0x3FB2]  }
0x2d: {  	s3 =	simm.s32 $0x108;
	s8 =	sld [smem:$0x3FB3]  }
0x2e: {  	s3 =	simm.s32 @!p0 $0x1082;
	s9 =	sld [smem:$0x3FB4]  }
0x2f: {  	lr =	sadd.s32 s0, s3;
	s0 =	sld [smem:$0x3FAB]  }
0x30: {  	s3 =	sld [smem:$0x3FAE]  }
0x31: {  	[smem:$0x3FB7] =	sst s10  }
0x32: {  	s10 =	sld [smem:$0x3FB5];
	_ =	sdelay $0x3  }
0x33: {  	p0 =	seq.s32 s10, $0x1;
	s10 =	sld [smem:$0x3FB7];
	_ =	sdelay $0x3  }
0x34: {  	[smem:$0x3FB7] =	sst s10  }
0x35: {  	s10 =	sld [smem:$0x3FB6];
	_ =	sdelay $0x3  }
0x36: {  	p1 =	seq.s32 s10, $0x1;
	s10 =	sld [smem:$0x3FB7];
	_ =	sdelay $0x3  }
0x37: {  	[smem:$0x3FB7] =	sst s10  }
0x38: {  	s10 =	sld [smem:$0x3FB8]  }
0x39: {  	_ = 	snop;
	(pc) =	sbr.ind lr, $3  }
0x3a: {  	_ = 	snop  }
0x3b: {  	_ = 	snop  }
0x3c: {  	p2 =	seq.s32 s10, $0x1;
	s10 =	sld [smem:$0x3FB7]  }
0x3d: {  	_ =	shalt  }
0x3e: {  	_ =	shalt  }
0x3f: {  	_ =	shalt  }
0x40: {  	_ =	shalt  }
0x41: {  	_ =	shalt  }
0x42: {  	_ =	shalt  }
0x43: {  	_ =	shalt  }
0x44: {  	_ =	shalt  }
0x45: {  	_ =	shalt  }
0x46: {  	_ =	shalt  }
0x47: {  	_ =	shalt  }
0x48: {  	_ =	shalt  }
0x49: {  	_ =	shalt  }
0x4a: {  	_ =	shalt  }
0x4b: {  	_ =	shalt  }
0x4c: {  	_ =	shalt  }
0x4d: {  	_ =	shalt  }
0x4e: {  	_ =	shalt  }
0x4f: {  	_ =	shalt  }
0x50: {  	_ =	shalt  }
0x51: {  	_ =	shalt  }
0x52: {  	_ =	shalt  }
0x53: {  	_ =	shalt  }
0x54: {  	_ =	shalt  }
0x55: {  	_ =	shalt  }
0x56: {  	_ =	shalt  }
0x57: {  	_ =	shalt  }
0x58: {  	_ =	shalt  }
0x59: {  	_ =	shalt  }
0x5a: {  	_ =	shalt  }
0x5b: {  	_ =	shalt  }
0x5c: {  	_ =	shalt  }
0x5d: {  	_ =	shalt  }
0x5e: {  	_ =	shalt  }
0x5f: {  	_ =	shalt  }
0x60: {  	_ =	shalt  }
0x61: {  	_ =	shalt  }
0x62: {  	_ =	shalt  }
0x63: {  	_ =	shalt  }
0x64: {  	_ =	shalt  }
0x65: {  	_ =	shalt  }
0x66: {  	_ =	shalt  }
0x67: {  	_ =	shalt  }
0x68: {  	_ =	shalt  }
0x69: {  	_ =	shalt  }
0x6a: {  	_ =	shalt  }
0x6b: {  	_ =	shalt  }
0x6c: {  	_ =	shalt  }
0x6d: {  	_ =	shalt  }
0x6e: {  	_ =	shalt  }
0x6f: {  	_ =	shalt  }
0x70: {  	_ =	shalt  }
0x71: {  	_ =	shalt  }
0x72: {  	_ =	shalt  }
0x73: {  	_ =	shalt  }
0x74: {  	_ =	shalt  }
0x75: {  	_ =	shalt  }
0x76: {  	_ =	shalt  }
0x77: {  	_ =	shalt  }
0x78: {  	_ =	shalt  }
0x79: {  	_ =	shalt  }
0x7a: {  	_ =	shalt  }
0x7b: {  	_ =	shalt  }
0x7c: {  	_ =	shalt  }
0x7d: {  	_ =	shalt  }
0x7e: {  	_ =	shalt  }
0x7f: {  	_ =	shalt  }
0x80: {  	_ =	shalt  }
0x81: {  	_ =	shalt  }
0x82: {  	_ =	shalt  }
0x83: {  	_ =	shalt  }
0x84: {  	_ =	shalt  }
0x85: {  	_ =	shalt  }
0x86: {  	_ =	shalt  }
0x87: {  	_ =	shalt  }
.Lfunc_end0:
.L_simem_size_0:
called_computation.1_lowered:
.L_overlay_start_0:
0x88: {  	s2 =	sld [smem:$0x3FD9]  }
0x89: {  	s3 =	sld [smem:$0x3FFE];
	_ =	sdelay $0x1  }
0x8a: {  	s1 =	srdreg.scid  }
0x8b: {  	s0 =	sand.u32 $0x1, s1  }
0x8c: {  	s16 =	sshll.u32 s0, $0xA;
	s2 =	sadd.s32 s3, s2  }
0x8d: {  	s2 =	sadd.s32 s2, s16  }
0x8e: {  	[smem:$0x3FC3] =	sst s2  }
0x8f: {  	_ = 	snop  }
0x90: {  	(tm) =	ssettm $0x1  }
0x91: {  	s17 =	sld [smem:$0x3FFB];
	_ =	sdelay $0x3  }
0x92: {  	_ =	strace s17  }
0x93: {  	s2 =	sld [smem:$0x3FFC];
	_ =	sdelay $0x3  }
0x94: {  	_ =	strace s2  }
0x95: {  	s2 =	sld [smem:$0x3FFD];
	_ =	sdelay $0x3  }
0x96: {  	_ =	strace s2  }
0x97: {  	_ =	strace $0x8FFFFFFF  }
0x98: {  	s18 =	sld [smem:$0x3FDB];
	_ =	sdelay $0x1  }
0x99: {  	s19 =	simm.s32 $_scs_section_size  }
0x9a: {  	s4 =	simm.s32 $_size__tile_overlayer_lowered;
	s5 =	simm.s32 $_tile_overlayer_lowered  }
0x9b: {  	s22 =	simm.s32 $0x1BFF;
	s21 =	sshll.u32 s5, $0x1;
	s2 =	sadd.s32 s19, s18  }
0x9c: {  	s6 =	simm.s32 $0x0;
	s20 =	sshll.u32 s4, $0x1;
	s4 =	sadd.s32 s21, s2  }
0x9d: {  	[timem:s6], [sflag:s22] =	dma.local [hbm:s4], s20  }
0x9e: {  	_ =	swait.ge [sflag:s22], s20  }
0x9f: {  	s3 =	ssub.s32 $0x0, s20;
	[sflag:s22] =	ssyncset.done $0x0  }
0xa0: {  	[sflag:s22] =	ssyncadd.s32 s3;
	_ =	sdelay $0x1  }
0xa1: {  	s23 =	simm.s32 $0x1B8B  }
0xa2: {  	_ =	swait.ge [sflag:s23], $0x1  }
0xa3: {  	[sflag:s23] =	ssyncset.done $0x0  }
0xa4: {  	s25 =	simm.s32 $0x1B8E;
	s24 =	sld [smem:$0x3FFE];
	[sflag:s23] =	ssyncadd.s32 $0xFFFFFFFF  }
0xa5: {  	s26 =	simm.s32 $execute0_lowered;
	[smem:$0x3FD2] =	sst s25  }
0xa6: {  	s4 =	sshll.u32 s26, $0x1;
	_ =	strace $0x80000049;
	[dreg:$0x1] =	wrdreg $0xFFFFFFFF  }
0xa7: {  	s28 =	simm.s32 $_size_execute0_lowered;
	s2 =	sadd.s32 s2, s4;
	[dreg:$0x0] =	wrdreg $0x0  }
0xa8: {  	s4 =	sshll.u32 s28, $0x1;
	[dreg:$0x2] =	wrdreg s2  }
0xa9: {  	[dreg:$0x3] =	wrdreg s4  }
0xaa: {  	[dreg:$0x4] =	wrdreg $0xC0  }
0xab: {  	_ =	task [dreg:s6], $0x5FFFF  }
0xac: {  	[dreg:$0x1] =	wrdreg $0xFFFFFFFF  }
0xad: {  	[dreg:$0x0] =	wrdreg $0x60  }
0xae: {  	[dreg:$0x2] =	wrdreg s24  }
0xaf: {  	[dreg:$0x3] =	wrdreg $0x9  }
0xb0: {  	_ =	task.clear_ibuf [dreg:s6], $0x4FFFF;
	_ =	strace $0x90000049  }
0xb1: {  	s29 =	simm.s32 $0x9;
	_ =	strace $0x8000004B  }
0xb2: {  	_ =	swait.ge [sflag:s29], $0x1  }
0xb3: {  	[sflag:s29] =	ssyncadd.s32 $0xFFFFFFFF  }
0xb4: {  	_ =	strace $0x9000004B  }
0xb5: {  	_ =	sfence  }
0xb6: {  	s30 =	sld [smem:$0x0];
	_ =	sdelay $0x2  }
0xb7: {  	s31 =	sshll.u32 s1, $0xD;
	s1 =	sshrl.u32 s1, $0x2  }
0xb8: {  	s3 =	sand.u32 $0x4000, s31;
	s1 =	sadd.s32 s1, s30  }
0xb9: {  	s0 =	sor.u32 s3, s0;
	s1 =	sshll.u32 s1, $0x11  }
0xba: {  	s0 =	sor.u32 s1, s0  }
0xbb: {  	s0 =	sadd.s32 $0x8F2B, s0  }
0xbc: {  	[sflag:s0] =	ssyncadd.remote.s32 $0x1  }
0xbd: {  	_ =	sfence.sel $0xFFFF  }
0xbe: {  	[dreg:$0x0] =	wrdreg $0xFFFFFFFF;
	(pc) =	sbr.abs _section_cstart, $3  }
0xbf: {  	[dreg:$0x1] =	wrdreg $0xFFFFFFFF  }
0xc0: {  	_ =	task.clear_ibuf [dreg:s6], $0x2FFFF;
	_ =	strace $0x9FFFFFFF  }
0xc1: {  	(tm) =	ssettm $0x7FFFFFFF  }
tec
execute0_lowered:
.L_overlay_start_1:
0x0: {  	(tag) =	ssettag $0x1  }
0x1: {  	s6 =	rddreg [dreg:$0x0]  }
0x2: {  	s0 =	rddreg [dreg:$0x1];
	s1 =	simm.s32 $0x0;
	s5 =	srdreg.scid  }
0x3: {  	s2 =	stileid.u32;
	s12 =	simm.s32 $0x10200;
	s13 =	simm.s32 $0xA00  }
0x4: {  	s14 =	simm.s32 $0x11620;
	s15 =	simm.s32 $0x1;
	s16 =	simm.s32 $0x10C20  }
0x5: {  	s17 =	simm.s32 $0x1B620;
	s18 =	simm.s32 $0x1C020;
	s19 =	simm.s32 $0x0  }
0x6: {  	[smem:$0x7FF] =	sst s1;
	s3 =	sadd.s32 $0x21400, s6;
	s4 =	sadd.s32 $0x41400, s6  }
0x7: {  	s7 =	sand.u32 $0x1, s5;
	s5 =	sadd.s32 $0x43400, s6;
	s8 =	sshll.u32 s2, $0x6  }
0x8: {  	s11 =	smul.u32 $0x2800, s2;
	_ =	strace $0x8000004A;
	s9 =	sshll.u32 s7, $0xA  }
0x9: {  	v0 =	vlaneseq.u32;
	s29 =	ssub.s32 $0x2, s7;
	s10 =	smul.u32 $0x28000, s7;
	s8 =	sor.u32 s8, s9  }
0xa: {  	v1 =	vmul.u32 $0x10, v0;
	s31 =	sshrl.u32 s29, $0x1;
	s30 =	sadd.s32 s8, s6;
	s6 =	sadd.s32 $0x43600, s6  }
0xb: {  	v3 =	vimm.s32 $0x7FFF;
	s8 =	ssub.s32 s29, s31;
	s9 =	sadd.s32 s11, s10;
	s10 =	simm.s32 $0x2  }
0xc: {  	v4 =	vimm.s32 $0x0;
	v5 =	vmul.u32 $0x14, v0;
	v2 =	vor.u32 $0x100, v1;
	s11 =	simm.s32 $0x10000;
	s7 =	sadd.s32 $0x1400, s30;
	s8 =	smax.u32 s8, $0x1  }
.LBB2_1:
0xd: {  	[tilespmem:s1], [sflag:$0x2] =	stream.linear.gather [hbm4b:s4+s1], $0x10000, $0x38;
	[tilespmem:$0x1C220] =	vst v63  }
0xe: {  	_ =	swait.ge [sflag:s10], $0x10000  }
0xf: {  	[sflag:s10] =	ssyncset.done $0x0  }
0x10: {  	[sflag:s10] =	ssyncadd.s32 $0xFFFF0000  }
0x11: {  	[tilespmem:s11], [sflag:$0x2] =	stream.linear.gather [hbm4b:s5+s1], $0x200, $0x38;
	[tilespmem:$0x1C220] =	vst v63  }
0x12: {  	_ =	swait.ge [sflag:s10], $0x200  }
0x13: {  	[sflag:s10] =	ssyncset.done $0x0  }
0x14: {  	[sflag:s10] =	ssyncadd.s32 $0xFFFFFE00  }
0x15: {  	v8 =	vld.idx.msk [tilespmem:v1+s11+$0x0], $0xffff  }
0x16: {  	v9 =	vld.idx.msk [tilespmem:v2+s11+$0x0], $0xffff;
	_ =	sdelay $0x3  }
0x17: {  	(xrf2) =	vadd.scan.msk.f32 $0xffff, v8  }
0x18: {  	(xrf2) =	vadd.scan.msk.f32 $0xffff, v9;
	_ =	sdelay $0x8  }
0x19: {  	v6, _, _ =	vpop (xrf2)  }
0x1a: {  	s20 =	simm.s32 $0x0;
	v7, _, _ =	vpop (xrf2)  }
0x1b: {  	v11 =	vmov s20;
	v10 =	vbroadcast v6, $0xF;
	v9 =	vsub.f32 v7, v9  }
0x1c: {  	v8 =	vsub.f32 v6, v8  }
0x1d: {  	v9 =	vadd.f32 v9, v10  }
0x1e: {  	[tilespmem:$0x10200] =	vst v8  }
0x1f: {  	[tilespmem:$0x10210] =	vst v9  }
0x20: {  	v8 =	vld.idx.msk [tilespmem:v11+s12+$0x0], $0xffff  }
0x21: {  	v9 =	vld [tilespmem:s1+$0x0];
	_ =	sdelay $0x1  }
0x22: {  	s22 =	simm.s32 $0x0;
	s21 =	simm.s32 $0x2;
	s20 =	simm.s32 $0x0  }
.LBB2_2:
0x23: {  	p0 =	sne.s32 s21, $0xFFF;
	v10 =	vmov s22;
	_ =	sdelay $0x1  }
0x24: {  	v8 =	vadd.f32 v9, v8;
	_ =	sdelay $0x1  }
.Ltmp0:
0x25: {  	[tilespmem:s20+$0x0] =	vst v8;
	(pc) =	sbr.rel @p0 .LBB2_2-.Ltmp0, $3  }
0x26: {  	s20 =	sadd.s32 $0x10, s20;
	v8 =	vld.idx.msk [tilespmem:v10+s12+$0x0], $0xffff  }
0x27: {  	v9 =	vld [tilespmem:s20+$0x0];
	_ =	sdelay $0x1  }
0x28: {  	s22 =	sshrl.u32 s21, $0x7;
	s21 =	sadd.s32 $0x1, s21  }
0x29: {  	(v2sf) =	vpush v6, $0xF  }
0x2a: {  	(v2sf) =	vpush v7, $0xF;
	_ =	sdelay $0x6  }
0x2b: {  	v6 =	vmov s22;
	_ =	sdelay $0x1  }
0x2c: {  	v7 =	vadd.f32 v9, v8;
	_ =	sdelay $0x1  }
0x2d: {  	[tilespmem:s20+$0x0] =	vst v7  }
0x2e: {  	s30 =	sadd.s32 $0x10, s20;
	v6 =	vld.idx.msk [tilespmem:v6+s12+$0x0], $0xffff  }
0x2f: {  	v7 =	vld [tilespmem:s30+$0x0]  }
0x30: {  	s21 =	spop (v2sf)  }
0x31: {  	s31 =	spop (v2sf)  }
0x32: {  	s21 =	sadd.f32 s31, s21;
	_ =	sdelay $0x1  }
0x33: {  	v6 =	vadd.f32 v7, v6;
	s21 =	smul.f32 $3.051757860e-06, s21;
	_ =	sdelay $0x1  }
0x34: {  	s20 =	simm.s32 $0x0;
	[tilespmem:s30+$0x0] =	vst v6;
	v6 =	vmov s21;
	s21 =	smov.u32 s9  }
.LBB2_4:
0x35: {  	s22 =	smov.u32 s21;
	s23 =	simm.s32 $0x0  }
.LBB2_5:
0x36: {  	v7 =	vmov s22  }
0x37: {  	v8 =	vor.u32 s22, v0;
	v7 =	vshrl.u32 v7, $0x10  }
0x38: {  	v7 =	vxor.u32 v7, v8  }
0x39: {  	v7 =	vmul.u32 $0x7FEB352D, v7;
	_ =	sdelay $0x1  }
0x3a: {  	v9 =	vshrl.u32 v7, $0xF  }
0x3b: {  	v7 =	vxor.u32 v7, v9  }
0x3c: {  	v7 =	vmul.u32 $0x846CA68B, v7;
	_ =	sdelay $0x1  }
0x3d: {  	v61 =	vshrl.u32 v7, $0x10  }
0x3e: {  	v7 =	vxor.u32 v7, v61;
	v9 =	vcvt.s32.f32 v61  }
0x3f: {  	v7 =	vand.u32 $0xFFFF, v7  }
0x40: {  	v7 =	vcvt.s32.f32 v7;
	v9 =	vmul.f32 $6.553600000e+04, v9;
	_ =	sdelay $0x1  }
0x41: {  	v7 =	vadd.f32 v7, v9;
	_ =	sdelay $0x1  }
0x42: {  	v8 =	vcvt.s32.f32 v8;
	v7 =	vmul.f32 $2.328306440e-10, v7  }
0x43: {  	v62 =	vld.idx.msk [tilespmem:v3+s1+$0x0], $0xffff  }
0x44: {  	v7 =	vadd.f32 v8, v7;
	_ =	sdelay $0x1  }
0x45: {  	v7 =	vmul.f32 v7, v6;
	_ =	sdelay $0x1  }
0x46: {  	vm0 =	vlt.f32 v62, v7  }
0x47: {  	v8 =	vsel vm0, $0x8000, v4  }
0x48: {  	v63 =	vor.u32 $0x3FFF, v8;
	_ =	sdelay $0x4  }
0x49: {  	v9 =	vld.idx.msk [tilespmem:v63+s1+$0x0], $0xffff;
	_ =	sdelay $0x4  }
0x4a: {  	vm13 =	vlt.f32 v9, v7  }
0x4b: {  	v9 =	vsel vm13, $0x4000, v4  }
0x4c: {  	v8 =	vor.u32 v8, v9  }
0x4d: {  	v9 =	vor.u32 $0x1FFF, v8;
	_ =	sdelay $0x4  }
0x4e: {  	v9 =	vld.idx.msk [tilespmem:v9+s1+$0x0], $0xffff;
	_ =	sdelay $0x4  }
0x4f: {  	vm14 =	vlt.f32 v9, v7  }
0x50: {  	v9 =	vsel vm14, $0x2000, v4  }
0x51: {  	v8 =	vor.u32 v9, v8  }
0x52: {  	v9 =	vor.u32 $0xFFF, v8;
	_ =	sdelay $0x4  }
0x53: {  	v9 =	vld.idx.msk [tilespmem:v9+s1+$0x0], $0xffff;
	_ =	sdelay $0x4  }
0x54: {  	vm15 =	vlt.f32 v9, v7  }
0x55: {  	v9 =	vsel vm15, $0x1000, v4  }
0x56: {  	v8 =	vor.u32 v9, v8  }
0x57: {  	v9 =	vor.u32 $0x7FF, v8;
	_ =	sdelay $0x4  }
0x58: {  	v9 =	vld.idx.msk [tilespmem:v9+s1+$0x0], $0xffff;
	_ =	sdelay $0x4  }
0x59: {  	vm4 =	vlt.f32 v9, v7  }
0x5a: {  	v9 =	vsel vm4, $0x800, v4  }
0x5b: {  	v8 =	vor.u32 v9, v8  }
0x5c: {  	v9 =	vor.u32 $0x3FF, v8;
	_ =	sdelay $0x4  }
0x5d: {  	v9 =	vld.idx.msk [tilespmem:v9+s1+$0x0], $0xffff;
	_ =	sdelay $0x4  }
0x5e: {  	vm5 =	vlt.f32 v9, v7  }
0x5f: {  	v9 =	vsel vm5, $0x400, v4  }
0x60: {  	v8 =	vor.u32 v9, v8  }
0x61: {  	v9 =	vor.u32 $0x1FF, v8;
	_ =	sdelay $0x4  }
0x62: {  	v9 =	vld.idx.msk [tilespmem:v9+s1+$0x0], $0xffff;
	_ =	sdelay $0x4  }
0x63: {  	vm6 =	vlt.f32 v9, v7  }
0x64: {  	v9 =	vsel vm6, $0x200, v4  }
0x65: {  	v8 =	vor.u32 v9, v8  }
0x66: {  	v9 =	vadd.s32 $0xFF, v8;
	_ =	sdelay $0x4  }
0x67: {  	v9 =	vld.idx.msk [tilespmem:v9+s1+$0x0], $0xffff;
	_ =	sdelay $0x4  }
0x68: {  	vm7 =	vlt.f32 v9, v7  }
0x69: {  	v9 =	vsel vm7, $0x100, v4  }
0x6a: {  	v8 =	vadd.s32 v9, v8  }
0x6b: {  	v9 =	vadd.s32 $0x7F, v8;
	_ =	sdelay $0x4  }
0x6c: {  	v9 =	vld.idx.msk [tilespmem:v9+s1+$0x0], $0xffff;
	_ =	sdelay $0x4  }
0x6d: {  	vm8 =	vlt.f32 v9, v7  }
0x6e: {  	v9 =	vsel vm8, $0x80, v4  }
0x6f: {  	v8 =	vadd.s32 v9, v8  }
0x70: {  	v9 =	vadd.s32 $0x3F, v8;
	_ =	sdelay $0x4  }
0x71: {  	v9 =	vld.idx.msk [tilespmem:v9+s1+$0x0], $0xffff;
	_ =	sdelay $0x4  }
0x72: {  	vm9 =	vlt.f32 v9, v7  }
0x73: {  	v9 =	vsel vm9, $0x40, v4  }
0x74: {  	v8 =	vadd.s32 v9, v8  }
0x75: {  	v9 =	vadd.s32 $0x1F, v8;
	_ =	sdelay $0x4  }
0x76: {  	v9 =	vld.idx.msk [tilespmem:v9+s1+$0x0], $0xffff;
	_ =	sdelay $0x4  }
0x77: {  	vm10 =	vlt.f32 v9, v7  }
0x78: {  	v9 =	vsel vm10, $0x20, v4  }
0x79: {  	v8 =	vadd.s32 v9, v8  }
0x7a: {  	v9 =	vadd.s32 $0xF, v8;
	_ =	sdelay $0x4  }
0x7b: {  	v9 =	vld.idx.msk [tilespmem:v9+s1+$0x0], $0xffff;
	_ =	sdelay $0x4  }
0x7c: {  	vm11 =	vlt.f32 v9, v7  }
0x7d: {  	v9 =	vsel vm11, $0x10, v4  }
0x7e: {  	v8 =	vadd.s32 v9, v8  }
0x7f: {  	v9 =	vadd.s32 $0x7, v8;
	_ =	sdelay $0x4  }
0x80: {  	v9 =	vld.idx.msk [tilespmem:v9+s1+$0x0], $0xffff;
	_ =	sdelay $0x4  }
0x81: {  	vm12 =	vlt.f32 v9, v7  }
0x82: {  	v9 =	vsel vm12, $0x8, v4  }
0x83: {  	v8 =	vadd.s32 v9, v8  }
0x84: {  	v9 =	vadd.s32 $0x3, v8;
	_ =	sdelay $0x4  }
0x85: {  	v9 =	vld.idx.msk [tilespmem:v9+s1+$0x0], $0xffff;
	_ =	sdelay $0x4  }
0x86: {  	vm13 =	vlt.f32 v9, v7  }
0x87: {  	v9 =	vsel vm13, $0x4, v4  }
0x88: {  	v8 =	vadd.s32 v9, v8  }
0x89: {  	v9 =	vadd.s32 $0x1, v8;
	_ =	sdelay $0x4  }
0x8a: {  	v9 =	vld.idx.msk [tilespmem:v9+s1+$0x0], $0xffff;
	_ =	sdelay $0x4  }
0x8b: {  	vm14 =	vlt.f32 v9, v7  }
0x8c: {  	v9 =	vsel vm14, $0x2, v4  }
0x8d: {  	v8 =	vadd.s32 v9, v8;
	_ =	sdelay $0x4  }
0x8e: {  	v9 =	vld.idx.msk [tilespmem:v8+s1+$0x0], $0xffff;
	_ =	sdelay $0x2  }
0x8f: {  	p0 =	sne.s32 s23, $0x27C0  }
.Ltmp1:
0x90: {  	_ = 	snop;
	(pc) =	sbr.rel @p0 .LBB2_5-.Ltmp1, $4  }
0x91: {  	vm15 =	vlt.f32 v9, v7  }
0x92: {  	s24 =	sshra.s32 s23, $0x2;
	v9 =	vsel vm15, $0x1, v4  }
0x93: {  	[tilespmem:s24+$0x10220] =	vst v7;
	v8 =	vadd.s32 v9, v8  }
0x94: {  	s22 =	sadd.s32 $0x10, s22;
	s23 =	sadd.s32 $0x40, s23;
	[tilespmem:s24+$0x10C20] =	vst v8  }
0x95: {  	s22 =	simm.s32 $0x10C20  }
0x96: {  	[tilespmem:s14], [sflag:$0x1] =	stream.indirect.gather [hbm4b:s3+s13], $0x10, s22, s13, $0xb8;
	[tilespmem:$0x1C220] =	vst v63  }
0x97: {  	_ =	swait.ge [sflag:s15], $0xA000  }
0x98: {  	[sflag:s15] =	ssyncset.done $0x0  }
0x99: {  	s23 =	simm.s32 $0x0;
	s24 =	simm.s32 $0x10220;
	[sflag:s15] =	ssyncadd.s32 $0xFFFF6000  }
.LBB2_7:
0x9a: {  	v7 =	vld [tilespmem:s22+$0x0];
	_ =	sdelay $0x3  }
0x9b: {  	v8 =	vmov s23  }
0x9c: {  	v8 =	vshll.u32 v8, $0x4;
	v9 =	vshra.s32 v7, $0xB  }
0x9d: {  	v8 =	vor.u32 v1, v8  }
0x9e: {  	v10 =	vor.u32 $0x7, v8;
	_ =	sdelay $0x1  }
0x9f: {  	v11 =	vld [tilespmem:s24+$0x0]  }
0xa0: {  	v9 =	vld.idx.msk [tilespmem:v9+s12+$0x0], $0xffff;
	_ =	sdelay $0x1  }
0xa1: {  	v10 =	vld.idx.msk [tilespmem:v10+s14+$0x0], $0xffff;
	_ =	sdelay $0x2  }
0xa2: {  	v9 =	vsub.f32 v11, v9;
	_ =	sdelay $0x1  }
0xa3: {  	vm0 =	vlt.f32 v10, v9  }
0xa4: {  	v10 =	vsel vm0, $0x8, v4  }
0xa5: {  	v8 =	vor.u32 v8, v10  }
0xa6: {  	v63 =	vor.u32 $0x3, v8;
	_ =	sdelay $0x4  }
0xa7: {  	v11 =	vld.idx.msk [tilespmem:v63+s14+$0x0], $0xffff;
	_ =	sdelay $0x4  }
0xa8: {  	vm12 =	vlt.f32 v11, v9  }
0xa9: {  	v11 =	vsel vm12, $0x4, v4  }
0xaa: {  	v12 =	vor.u32 v11, v8  }
0xab: {  	v12 =	vor.u32 $0x1, v12;
	_ =	sdelay $0x4  }
0xac: {  	v12 =	vld.idx.msk [tilespmem:v12+s14+$0x0], $0xffff;
	_ =	sdelay $0x4  }
0xad: {  	vm13 =	vlt.f32 v12, v9  }
0xae: {  	v12 =	vsel vm13, $0x2, v4  }
0xaf: {  	v11 =	vor.u32 v11, v12  }
0xb0: {  	v8 =	vor.u32 v8, v11;
	_ =	sdelay $0x4  }
0xb1: {  	v8 =	vld.idx.msk [tilespmem:v8+s14+$0x0], $0xffff;
	_ =	sdelay $0x4  }
0xb2: {  	vm14 =	vlt.f32 v8, v9  }
0xb3: {  	v7 =	vshll.u32 v7, $0x4;
	v8 =	vsel vm14, $0x1, v4  }
0xb4: {  	p0 =	sne.s32 s23, $0x9F0;
	v7 =	vor.u32 v8, v7  }
.Ltmp2:
0xb5: {  	v7 =	vor.u32 v10, v7;
	(pc) =	sbr.rel @p0 .LBB2_7-.Ltmp2, $4  }
0xb6: {  	v7 =	vor.u32 v11, v7  }
0xb7: {  	vm15 =	vlt.s32 v7, $0xF423F  }
0xb8: {  	v7 =	vnsel vm15, $0xF423F, v7  }
0xb9: {  	s24 =	sadd.s32 $0x10, s24;
	s23 =	sadd.s32 $0x10, s23;
	[tilespmem:s22+$0x0] =	vst v7;
	s22 =	sadd.s32 $0x10, s22  }
0xba: {  	[tilespmem:s17], [sflag:$0x1] =	stream.indirect.gather [hbm4b:s6+s13], $0x1, s16, s13, $0xb8;
	[tilespmem:$0x1C220] =	vst v63  }
0xbb: {  	s22 =	sshll.u32 s20, $0x7  }
0xbc: {  	_ =	swait.ge [sflag:s15], $0xA00;
	s22 =	sand.u32 $0x3FFFFF80, s22  }
0xbd: {  	[sflag:s15] =	ssyncset.done $0x0;
	s23 =	sadd.s32 $0x1C020, s22  }
0xbe: {  	s22 =	simm.s32 $0x0;
	[sflag:s15] =	ssyncadd.s32 $0xFFFFF600;
	v7 =	vmov s23;
	s23 =	simm.s32 $0x0  }
.LBB2_9:
0xbf: {  	s24 =	sshll.u32 s23, $0x4  }
0xc0: {  	v8 =	vmov s24  }
0xc1: {  	v8 =	vmul.u32 $0x14, v8;
	_ =	sdelay $0x1  }
0xc2: {  	v9 =	vadd.s32 s22, v8  }
0xc3: {  	v9 =	vbroadcast v9, $0x0;
	_ =	sdelay $0x1  }
0xc4: {  	v10 =	vadd.s32 v5, v9  }
0xc5: {  	s25 =	simm.s32 $0x1  }
0xc6: {  	v9 =	vadd.s32 s25, v8  }
0xc7: {  	v11 =	vbroadcast v9, $0x0;
	_ =	sdelay $0x1  }
0xc8: {  	s25 =	simm.s32 $0x2;
	v9 =	vimm.f32 $0.0e+00;
	v11 =	vadd.s32 v5, v11;
	v10 =	vld.idx.msk [tilespmem:v10+s17+$0x0], $0xffff  }
.LBB2_10:
0xc9: {  	p0 =	sne.s32 s25, $0x13  }
.Ltmp3:
0xca: {  	_ = 	snop;
	(pc) =	sbr.rel @p0 .LBB2_10-.Ltmp3, $3  }
0xcb: {  	v12 =	vadd.s32 s25, v8  }
0xcc: {  	v12 =	vbroadcast v12, $0x0;
	_ =	sdelay $0x1  }
0xcd: {  	s25 =	sadd.s32 $0x1, s25;
	v9 =	vadd.f32 v10, v9;
	v10 =	vld.idx.msk [tilespmem:v11+s17+$0x0], $0xffff;
	v11 =	vadd.s32 v5, v12  }
0xce: {  	_ =	sdelay $0x3  }
0xcf: {  	v8 =	vld.idx.msk [tilespmem:v11+s17+$0x0], $0xffff;
	_ =	sdelay $0x2  }
0xd0: {  	s23 =	sadd.s32 $0x1, s23;
	v9 =	vadd.f32 v10, v9  }
0xd1: {  	p0 =	sne.s32 s23, $0x8  }
.Ltmp4:
0xd2: {  	v8 =	vadd.f32 v8, v9;
	(pc) =	sbr.rel @p0 .LBB2_9-.Ltmp4, $3  }
0xd3: {  	_ = 	snop  }
0xd4: {  	v8 =	vmul.f32 $5.000000070e-02, v8;
	_ =	sdelay $0x1  }
0xd5: {  	[tilespmem:v7+s24+$0x0 ss:$0x1] =	vst.idx.msk $0xffff, v8  }
0xd6: {  	s20 =	sadd.s32 $0x1, s20  }
0xd7: {  	p0 =	sne.s32 s20, $0x4  }
.Ltmp5:
0xd8: {  	_ = 	snop;
	(pc) =	sbr.rel @p0 .LBB2_4-.Ltmp5, $2  }
0xd9: {  	_ =	sdelay $0x2  }
0xda: {  	s21 =	sadd.s32 $0xA00, s21  }
0xdb: {  	s19 =	sadd.s32 $0x1, s19  }
0xdc: {  	p0 =	sne.s32 s19, s8  }
.Ltmp6:
0xdd: {  	_ = 	snop;
	(pc) =	sbr.rel @p0 .LBB2_1-.Ltmp6, $4  }
0xde: {  	[hbm4b:s7+s1] =	stream.linear.scatter [tilespmem:s18], [sflag:$0x2], $0x200, $0x38;
	[tilespmem:$0x1C220] =	vst v63  }
0xdf: {  	_ =	swait.ge [sflag:s10], $0x200  }
0xe0: {  	[sflag:s10] =	ssyncset.done $0x0  }
0xe1: {  	[sflag:s10] =	ssyncadd.s32 $0xFFFFFE00  }
0xe2: {  	_ =	sfence.sel $0x180000  }
0xe3: {  	[bflag:$0x0] =	sbarrier.arrive $0xFFFF  }
0xe4: {  	p0 =	sne.s32 s2, $0x0;
	_ =	strace $0x9000004A  }
0xe5: {  	s0 =	sadd.s32 @!p0 $0x100000, s0;
	[bflag:$0x2] =	sbarrier.arrive $0xFFFF  }
0xe6: {  	[sflag:s0] =	ssyncadd.tile.s32 @!p0 $0x1;
	_ =	shalt  }
.Lfunc_end2:
_tile_overlayer_lowered:
.L_overlay_start_2:
0xe7: {  	(tag) =	ssettag $0x2  }
0xe8: {  	s0 =	rddreg [dreg:$0x0];
	s2 =	stileid.u32  }
0xe9: {  	s1 =	rddreg [dreg:$0x1];
	p0 =	sne.s32 s2, $0x0  }
0xea: {  	s3 =	rddreg [dreg:$0x2];
	[bflag:$0x3] =	sbarrier.arrive $0xFFFF;
	s2 =	simm.s32 @!p0 $0x1C02  }
0xeb: {  	[timem:s3], [sflag:s2] =	dma.local @!p0 [hbm:s0], s1  }
0xec: {  	s0 =	simm.s32 @!p0 $0x2  }
0xed: {  	_ =	swait.ge @!p0 [sflag:s0], s1  }
0xee: {  	s1 =	ssub.s32 @!p0 $0x0, s1;
	[sflag:s0] =	ssyncset.done @!p0 $0x0  }
0xef: {  	[sflag:s0] =	ssyncadd.s32 @!p0 s1  }
0xf0: {  	[bflag:$0x3] =	sbarrier.arrive $0xFFFF  }
0xf1: {  	_ =	shalt  }

</sc_bundles>
